<compile_context>
chip_gen: v7x
topology: tpu7x:2x2x1
jax: 0.10.2.dev20260603
libtpu: 0.0.44.dev20260713+nightly
codegen_flags: <defaults>
</compile_context>

<pallas_src>
import jax
import jax.numpy as jnp
from jax import lax
from jax.experimental import pallas as pl
from jax.experimental.pallas import tpu as pltpu
from jax.experimental.pallas import tpu_sc as plsc

V = 1000
D = 128
B = 16384
S = 200
N = B * S
NC = 2
NS = 16
NW = NC * NS
PER_W = N // NW
CHUNK = 128
NBUF = 4
BLOCK = 4 * CHUNK
IDX_ROWS = BLOCK // 128
N_BLOCKS = PER_W // BLOCK
N_GROUPS = PER_W // CHUNK


def _emb_body(idx_hbm, table_hbm, out_hbm, table_sp, ibuf, rows,
              isem0, isem1,
              gsem0, gsem1, gsem2, gsem3,
              ssem0, ssem1, ssem2, ssem3):
    sub = lax.axis_index("s")
    wid = sub * NC + lax.axis_index("c")
    wrow = wid * (PER_W // 128)
    wout = wid * PER_W

    isems = (isem0, isem1)
    gsems = (gsem0, gsem1, gsem2, gsem3)
    ssems = (ssem0, ssem1, ssem2, ssem3)

    @pl.when(sub == 0)
    def _load_table():
        pltpu.sync_copy(table_hbm, table_sp)
    plsc.subcore_barrier()

    pltpu.sync_copy(idx_hbm.at[pl.ds(wrow, IDX_ROWS)], ibuf.at[0])

    def _gather(bi, g, buf):
        return pltpu.make_async_copy(
            table_sp.at[ibuf.at[bi, g]], rows.at[buf], gsems[buf])

    def _store(gi, buf):
        return pltpu.make_async_copy(
            rows.at[buf], out_hbm.at[pl.ds(wout + gi * CHUNK, CHUNK)],
            ssems[buf])

    def body(k2, carry):
        k = k2 * 2
        for b in range(2):
            blk = k + b
            if b == 0:
                @pl.when(k > 0)
                def _wait_idx():
                    pltpu.make_async_copy(
                        idx_hbm.at[pl.ds(wrow, IDX_ROWS)],
                        ibuf.at[b], isems[b]).wait()
            else:
                pltpu.make_async_copy(
                    idx_hbm.at[pl.ds(wrow, IDX_ROWS)],
                    ibuf.at[b], isems[b]).wait()
            nxt = blk + 1
            for g in range(4):
                gi = blk * 4 + g
                if g == 2:
                    if b == 0:
                        pltpu.make_async_copy(
                            idx_hbm.at[pl.ds(wrow + nxt * IDX_ROWS, IDX_ROWS)],
                            ibuf.at[1 - b], isems[1 - b]).start()
                    else:
                        @pl.when(k < N_BLOCKS - 2)
                        def _pref_idx():
                            pltpu.make_async_copy(
                                idx_hbm.at[pl.ds(wrow + nxt * IDX_ROWS,
                                                 IDX_ROWS)],
                                ibuf.at[1 - b], isems[1 - b]).start()
                if b == 0:
                    @pl.when(k > 0)
                    def _wait_store():
                        _store(gi - NBUF, g).wait()
                else:
                    _store(gi - NBUF, g).wait()
                _gather(b, g, g).start()
                pg = (g + 2) % 4
                if b == 0 and g < 2:
                    @pl.when(k > 0)
                    def _store_prev():
                        _gather(0, 0, pg).wait()
                        _store(gi - 2, pg).start()
                else:
                    _gather(0, 0, pg).wait()
                    _store(gi - 2, pg).start()
        return carry

    lax.fori_loop(0, N_BLOCKS // 2, body, None)

    for gi in (N_GROUPS - 2, N_GROUPS - 1):
        _gather(0, 0, gi % 4).wait()
        _store(gi, gi % 4).start()
    for gi in range(N_GROUPS - 4, N_GROUPS):
        _store(gi, gi % 4).wait()


def kernel(indices, table):
    idx2d = indices.reshape(N // 128, 128)
    mesh = plsc.VectorSubcoreMesh(core_axis_name="c", subcore_axis_name="s")
    f = pl.kernel(
        _emb_body,
        mesh=mesh,
        out_type=jax.ShapeDtypeStruct((N, D), jnp.float32),
        scratch_types=[
            pltpu.VMEM_SHARED((V, D), jnp.float32),
            pltpu.VMEM((2, IDX_ROWS, 128), jnp.int32),
            pltpu.VMEM((NBUF, CHUNK, D), jnp.float32),
            pltpu.SemaphoreType.DMA, pltpu.SemaphoreType.DMA,
            pltpu.SemaphoreType.DMA, pltpu.SemaphoreType.DMA,
            pltpu.SemaphoreType.DMA, pltpu.SemaphoreType.DMA,
            pltpu.SemaphoreType.DMA, pltpu.SemaphoreType.DMA,
            pltpu.SemaphoreType.DMA, pltpu.SemaphoreType.DMA,
        ],
    )
    out = f(idx2d, table)
    return out.reshape(B, S, D)

# --- scband reference (transcript-rebuilt; emitter-appended) ---
"""Pipeline reference for scband-embedding-76201309765677 (READ-ONLY COPY).

The authoritative reference and input builder live on the scoring server;
editing this copy changes nothing except your own understanding.
"""

import jax, jax.numpy as jnp
import numpy as np

VOCAB = 1000
EMBED_DIM = 128
BATCH = 16384
SEQ = 200

def setup_inputs(seed: int = 0) -> dict:
    key = jax.random.key(seed)
    k1, k2 = jax.random.split(key)
    indices = jax.random.randint(k1, (BATCH, SEQ), 0, VOCAB, dtype=jnp.int32)
    # learned embedding table (char_embed_table), sized per init_kwargs
    table = jax.random.normal(k2, (VOCAB, EMBED_DIM), dtype=jnp.float32) * 0.02
    return {"indices": indices, "table": table}

def reference(indices, table):
    # Faithful translation of the module: per-token embedding lookup over
    # the character symbol table for every sequence in the batch.
    # char_embedded_inputs = [char_embed_table[w] for w in input] -> gather
    char_embedded_inputs = jnp.take(table, indices, axis=0)  # [B, S, D]
    return char_embedded_inputs

if __name__ == "__main__":
    import jax
    _d = setup_inputs()
    print(jax.jit(kernel)(*tuple(_d.values())))

</pallas_src>

<mosaic_0001>
#map = affine_map<(d0, d1) -> (0, 0)>
module attributes {stable_mosaic.version = 14 : i64} {
  func.func @_emb_body(%arg0: i32, %arg1: i32, %arg2: memref<25600x128xi32, #tpu.memory_space<hbm>>, %arg3: memref<1000x128xf32, #tpu.memory_space<hbm>>, %arg4: memref<3276800x128xf32, #tpu.memory_space<hbm>>, %arg5: memref<1000x128xf32, #tpu.memory_space<vmem_shared>>, %arg6: memref<2x4x128xi32, #tpu.memory_space<vmem>>, %arg7: memref<4x128x128xf32, #tpu.memory_space<vmem>>, %arg8: memref<!tpu.dma_semaphore, #tpu.memory_space<semaphore_mem>>, %arg9: memref<!tpu.dma_semaphore, #tpu.memory_space<semaphore_mem>>, %arg10: memref<!tpu.dma_semaphore, #tpu.memory_space<semaphore_mem>>, %arg11: memref<!tpu.dma_semaphore, #tpu.memory_space<semaphore_mem>>, %arg12: memref<!tpu.dma_semaphore, #tpu.memory_space<semaphore_mem>>, %arg13: memref<!tpu.dma_semaphore, #tpu.memory_space<semaphore_mem>>, %arg14: memref<!tpu.dma_semaphore, #tpu.memory_space<semaphore_mem>>, %arg15: memref<!tpu.dma_semaphore, #tpu.memory_space<semaphore_mem>>, %arg16: memref<!tpu.dma_semaphore, #tpu.memory_space<semaphore_mem>>, %arg17: memref<!tpu.dma_semaphore, #tpu.memory_space<semaphore_mem>>) attributes {dimension_semantics = [#tpu.dimension_semantics<core_parallel>, #tpu.dimension_semantics<subcore_parallel>], iteration_bounds = array<i64: 2, 16>, scalar_prefetch = 0 : i64, scratch_operands = 13 : i64, tpu.core_type = #tpu.core_type<sc_vector_subcore>, window_params = [{transform_indices = #map}, {transform_indices = #map}, {transform_indices = #map}]} {
    %mul3A = arith.constant 2 : i32
    %mul3A_0 = arith.muli %arg1, %mul3A : i32
    %add3A = arith.addi %mul3A_0, %arg0 : i32
    %mul3A_1 = arith.constant 800 : i32
    %mul3A_2 = arith.muli %add3A, %mul3A_1 : i32
    %mul3A_3 = arith.constant 102400 : i32
    %mul3A_4 = arith.muli %add3A, %mul3A_3 : i32
    %eq3A = arith.constant 0 : i32
    %eq3A_5 = arith.cmpi eq, %arg1, %eq3A : i32
    %convert_element_type3A = arith.extui %eq3A_5 : i1 to i32
    %cond3A = arith.constant 0 : i32
    %cond3A_6 = arith.cmpi ne, %convert_element_type3A, %cond3A : i32
    scf.if %cond3A_6 {
      "tpu.region"() ({
        %run_scoped3A_125 = tpu.sem_alloc : memref<!tpu.dma_semaphore, #tpu.memory_space<semaphore_mem>>
        tpu.enqueue_dma source(%arg3 : memref<1000x128xf32, #tpu.memory_space<hbm>>) target(%arg5 : memref<1000x128xf32, #tpu.memory_space<vmem_shared>>) target_semaphore(%run_scoped3A_125 : memref<!tpu.dma_semaphore, #tpu.memory_space<semaphore_mem>>)
        tpu.wait_dma2 semaphore(%run_scoped3A_125 : memref<!tpu.dma_semaphore, #tpu.memory_space<semaphore_mem>>) src(%arg3 : memref<1000x128xf32, #tpu.memory_space<hbm>>) dst(%arg5 : memref<1000x128xf32, #tpu.memory_space<vmem_shared>>)
        tpu.yield
      }) : () -> ()
    } else {
    }
    %barrier3A = arith.constant 0 : index
    tpu.barrier barrier_id(%barrier3A)
    %run_scoped3A = arith.constant 0 : i32
    "tpu.region"() ({
      %run_scoped3A_125 = tpu.sem_alloc : memref<!tpu.dma_semaphore, #tpu.memory_space<semaphore_mem>>
      %dma_start3A_126 = arith.constant 0 : i32
      %dma_start3A_127 = arith.constant 0 : i32
      %dma_start3A_128 = tpu.memref_slice %arg6[%run_scoped3A, %dma_start3A_126, %dma_start3A_127] : memref<2x4x128xi32, #tpu.memory_space<vmem>> -> memref<1x4x128xi32, #tpu.memory_space<vmem>>
      %dma_start3A_129 = tpu.memref_squeeze %dma_start3A_128 : memref<1x4x128xi32, #tpu.memory_space<vmem>> -> memref<4x128xi32, #tpu.memory_space<vmem>>
      %dma_start3A_130 = arith.constant 0 : i32
      %dma_start3A_131 = tpu.memref_slice %arg2[%mul3A_2, %dma_start3A_130] : memref<25600x128xi32, #tpu.memory_space<hbm>> -> memref<4x128xi32, #tpu.memory_space<hbm>>
      %dma_start3A_132 = arith.constant 0 : i32
      %dma_start3A_133 = arith.constant 0 : i32
      %dma_start3A_134 = tpu.memref_slice %arg6[%run_scoped3A, %dma_start3A_132, %dma_start3A_133] : memref<2x4x128xi32, #tpu.memory_space<vmem>> -> memref<1x4x128xi32, #tpu.memory_space<vmem>>
      %dma_start3A_135 = tpu.memref_squeeze %dma_start3A_134 : memref<1x4x128xi32, #tpu.memory_space<vmem>> -> memref<4x128xi32, #tpu.memory_space<vmem>>
      %dma_start3A_136 = arith.constant 0 : i32
      %dma_start3A_137 = tpu.memref_slice %arg2[%mul3A_2, %dma_start3A_136] : memref<25600x128xi32, #tpu.memory_space<hbm>> -> memref<4x128xi32, #tpu.memory_space<hbm>>
      tpu.enqueue_dma source(%dma_start3A_137 : memref<4x128xi32, #tpu.memory_space<hbm>>) target(%dma_start3A_135 : memref<4x128xi32, #tpu.memory_space<vmem>>) target_semaphore(%run_scoped3A_125 : memref<!tpu.dma_semaphore, #tpu.memory_space<semaphore_mem>>)
      %dma_wait3A_138 = arith.constant 0 : i32
      %dma_wait3A_139 = arith.constant 0 : i32
      %dma_wait3A_140 = tpu.memref_slice %arg6[%run_scoped3A, %dma_wait3A_138, %dma_wait3A_139] : memref<2x4x128xi32, #tpu.memory_space<vmem>> -> memref<1x4x128xi32, #tpu.memory_space<vmem>>
      %dma_wait3A_141 = tpu.memref_squeeze %dma_wait3A_140 : memref<1x4x128xi32, #tpu.memory_space<vmem>> -> memref<4x128xi32, #tpu.memory_space<vmem>>
      %dma_wait3A_142 = arith.constant 0 : i32
      %dma_wait3A_143 = tpu.memref_slice %arg2[%mul3A_2, %dma_wait3A_142] : memref<25600x128xi32, #tpu.memory_space<hbm>> -> memref<4x128xi32, #tpu.memory_space<hbm>>
      %dma_wait3A_144 = arith.constant 0 : i32
      %dma_wait3A_145 = arith.constant 0 : i32
      %dma_wait3A_146 = tpu.memref_slice %arg6[%run_scoped3A, %dma_wait3A_144, %dma_wait3A_145] : memref<2x4x128xi32, #tpu.memory_space<vmem>> -> memref<1x4x128xi32, #tpu.memory_space<vmem>>
      %dma_wait3A_147 = tpu.memref_squeeze %dma_wait3A_146 : memref<1x4x128xi32, #tpu.memory_space<vmem>> -> memref<4x128xi32, #tpu.memory_space<vmem>>
      %dma_wait3A_148 = arith.constant 0 : i32
      %dma_wait3A_149 = tpu.memref_slice %arg2[%mul3A_2, %dma_wait3A_148] : memref<25600x128xi32, #tpu.memory_space<hbm>> -> memref<4x128xi32, #tpu.memory_space<hbm>>
      tpu.wait_dma2 semaphore(%run_scoped3A_125 : memref<!tpu.dma_semaphore, #tpu.memory_space<semaphore_mem>>) src(%dma_wait3A_149 : memref<4x128xi32, #tpu.memory_space<hbm>>) dst(%dma_wait3A_147 : memref<4x128xi32, #tpu.memory_space<vmem>>)
      tpu.yield
    }) : () -> ()
    %scan3A = arith.constant 0 : i32
    %scan3A_7 = arith.constant 100 : i32
    %scan3A_8 = arith.addi %scan3A, %scan3A_7 : i32
    %scan3A_9 = arith.constant 1 : i32
    scf.for %scan3A_125 = %scan3A to %scan3A_8 step %scan3A_9  : i32 {
      %mul3A_126 = arith.constant 2 : i32
      %mul3A_127 = arith.muli %scan3A_125, %mul3A_126 : i32
      %add3A_128 = arith.constant 0 : i32
      %add3A_129 = arith.addi %mul3A_127, %add3A_128 : i32
      %gt3A = arith.constant 0 : i32
      %gt3A_130 = arith.cmpi sgt, %mul3A_127, %gt3A : i32
      %convert_element_type3A_131 = arith.extui %gt3A_130 : i1 to i32
      %cond3A_132 = arith.constant 0 : i32
      %cond3A_133 = arith.cmpi ne, %convert_element_type3A_131, %cond3A_132 : i32
      scf.if %cond3A_133 {
        %dma_wait3A_596 = arith.constant 0 : i32
        %dma_wait3A_597 = arith.constant 0 : i32
        %dma_wait3A_598 = arith.constant 0 : i32
        %dma_wait3A_599 = tpu.memref_slice %arg6[%dma_wait3A_596, %dma_wait3A_597, %dma_wait3A_598] : memref<2x4x128xi32, #tpu.memory_space<vmem>> -> memref<1x4x128xi32, #tpu.memory_space<vmem>>
        %dma_wait3A_600 = tpu.memref_squeeze %dma_wait3A_599 : memref<1x4x128xi32, #tpu.memory_space<vmem>> -> memref<4x128xi32, #tpu.memory_space<vmem>>
        %dma_wait3A_601 = arith.constant 0 : i32
        %dma_wait3A_602 = tpu.memref_slice %arg2[%mul3A_2, %dma_wait3A_601] : memref<25600x128xi32, #tpu.memory_space<hbm>> -> memref<4x128xi32, #tpu.memory_space<hbm>>
        %dma_wait3A_603 = arith.constant 0 : i32
        %dma_wait3A_604 = arith.constant 0 : i32
        %dma_wait3A_605 = tpu.memref_slice %arg6[%dma_wait3A_596, %dma_wait3A_603, %dma_wait3A_604] : memref<2x4x128xi32, #tpu.memory_space<vmem>> -> memref<1x4x128xi32, #tpu.memory_space<vmem>>
        %dma_wait3A_606 = tpu.memref_squeeze %dma_wait3A_605 : memref<1x4x128xi32, #tpu.memory_space<vmem>> -> memref<4x128xi32, #tpu.memory_space<vmem>>
        %dma_wait3A_607 = arith.constant 0 : i32
        %dma_wait3A_608 = tpu.memref_slice %arg2[%mul3A_2, %dma_wait3A_607] : memref<25600x128xi32, #tpu.memory_space<hbm>> -> memref<4x128xi32, #tpu.memory_space<hbm>>
        tpu.wait_dma2 semaphore(%arg8 : memref<!tpu.dma_semaphore, #tpu.memory_space<semaphore_mem>>) src(%dma_wait3A_608 : memref<4x128xi32, #tpu.memory_space<hbm>>) dst(%dma_wait3A_606 : memref<4x128xi32, #tpu.memory_space<vmem>>)
      } else {
      }
      %add3A_134 = arith.constant 1 : i32
      %add3A_135 = arith.addi %add3A_129, %add3A_134 : i32
      %mul3A_136 = arith.constant 4 : i32
      %mul3A_137 = arith.muli %add3A_129, %mul3A_136 : i32
      %add3A_138 = arith.constant 0 : i32
      %add3A_139 = arith.addi %mul3A_137, %add3A_138 : i32
      %gt3A_140 = arith.constant 0 : i32
      %gt3A_141 = arith.cmpi sgt, %mul3A_127, %gt3A_140 : i32
      %convert_element_type3A_142 = arith.extui %gt3A_141 : i1 to i32
      %cond3A_143 = arith.constant 0 : i32
      %cond3A_144 = arith.cmpi ne, %convert_element_type3A_142, %cond3A_143 : i32
      scf.if %cond3A_144 {
        %sub3A_596 = arith.constant 4 : i32
        %sub3A_597 = arith.subi %add3A_139, %sub3A_596 : i32
        %mul3A_598 = arith.constant 128 : i32
        %mul3A_599 = arith.muli %sub3A_597, %mul3A_598 : i32
        %add3A_600 = arith.addi %mul3A_4, %mul3A_599 : i32
        %dma_wait3A_601 = arith.constant 0 : i32
        %dma_wait3A_602 = arith.constant 0 : i32
        %dma_wait3A_603 = arith.constant 0 : i32
        %dma_wait3A_604 = tpu.memref_slice %arg7[%dma_wait3A_601, %dma_wait3A_602, %dma_wait3A_603] : memref<4x128x128xf32, #tpu.memory_space<vmem>> -> memref<1x128x128xf32, #tpu.memory_space<vmem>>
        %dma_wait3A_605 = tpu.memref_squeeze %dma_wait3A_604 : memref<1x128x128xf32, #tpu.memory_space<vmem>> -> memref<128x128xf32, #tpu.memory_space<vmem>>
        %dma_wait3A_606 = arith.constant 0 : i32
        %dma_wait3A_607 = tpu.memref_slice %arg4[%add3A_600, %dma_wait3A_606] : memref<3276800x128xf32, #tpu.memory_space<hbm>> -> memref<128x128xf32, #tpu.memory_space<hbm>>
        %dma_wait3A_608 = arith.constant 0 : i32
        %dma_wait3A_609 = tpu.memref_slice %arg4[%add3A_600, %dma_wait3A_608] : memref<3276800x128xf32, #tpu.memory_space<hbm>> -> memref<128x128xf32, #tpu.memory_space<hbm>>
        %dma_wait3A_610 = arith.constant 0 : i32
        %dma_wait3A_611 = arith.constant 0 : i32
        %dma_wait3A_612 = tpu.memref_slice %arg7[%dma_wait3A_601, %dma_wait3A_610, %dma_wait3A_611] : memref<4x128x128xf32, #tpu.memory_space<vmem>> -> memref<1x128x128xf32, #tpu.memory_space<vmem>>
        %dma_wait3A_613 = tpu.memref_squeeze %dma_wait3A_612 : memref<1x128x128xf32, #tpu.memory_space<vmem>> -> memref<128x128xf32, #tpu.memory_space<vmem>>
        tpu.wait_dma2 semaphore(%arg14 : memref<!tpu.dma_semaphore, #tpu.memory_space<semaphore_mem>>) src(%dma_wait3A_613 : memref<128x128xf32, #tpu.memory_space<vmem>>) dst(%dma_wait3A_609 : memref<128x128xf32, #tpu.memory_space<hbm>>)
      } else {
      }
      %dma_start3A_145 = arith.constant 0 : i32
      %dma_start3A_146 = arith.constant 0 : i32
      %dma_start3A_147 = arith.constant 0 : i32
      %dma_start3A_148 = arith.constant 0 : i32
      %dma_start3A_149 = arith.constant 0 : i32
      %dma_start3A_150 = tpu.memref_slice %arg7[%dma_start3A_147, %dma_start3A_148, %dma_start3A_149] : memref<4x128x128xf32, #tpu.memory_space<vmem>> -> memref<1x128x128xf32, #tpu.memory_space<vmem>>
      %dma_start3A_151 = tpu.memref_squeeze %dma_start3A_150 : memref<1x128x128xf32, #tpu.memory_space<vmem>> -> memref<128x128xf32, #tpu.memory_space<vmem>>
      %dma_start3A_152 = arith.constant 0 : i32
      %dma_start3A_153 = tpu.memref_slice %arg6[%dma_start3A_145, %dma_start3A_146, %dma_start3A_152] : memref<2x4x128xi32, #tpu.memory_space<vmem>> -> memref<1x1x128xi32, #tpu.memory_space<vmem>>
      %dma_start3A_154 = tpu.memref_squeeze %dma_start3A_153 : memref<1x1x128xi32, #tpu.memory_space<vmem>> -> memref<128xi32, #tpu.memory_space<vmem>>
      %dma_start3A_155 = arith.constant 0 : i32
      %dma_start3A_156 = arith.constant 0 : i32
      %dma_start3A_157 = tpu.memref_slice %arg5[%dma_start3A_155, %dma_start3A_156] : memref<1000x128xf32, #tpu.memory_space<vmem_shared>> -> memref<1000x128xf32, #tpu.memory_space<vmem_shared>>
      tpu.enqueue_indirect_dma source(%dma_start3A_157 : memref<1000x128xf32, #tpu.memory_space<vmem_shared>>) target(%dma_start3A_151 : memref<128x128xf32, #tpu.memory_space<vmem>>) offsets(%dma_start3A_154 : memref<128xi32, #tpu.memory_space<vmem>>) semaphore(%arg10 : memref<!tpu.dma_semaphore, #tpu.memory_space<semaphore_mem>>)
      %gt3A_158 = arith.constant 0 : i32
      %gt3A_159 = arith.cmpi sgt, %mul3A_127, %gt3A_158 : i32
      %convert_element_type3A_160 = arith.extui %gt3A_159 : i1 to i32
      %cond3A_161 = arith.constant 0 : i32
      %cond3A_162 = arith.cmpi ne, %convert_element_type3A_160, %cond3A_161 : i32
      scf.if %cond3A_162 {
        %dma_wait3A_596 = arith.constant 0 : i32
        %dma_wait3A_597 = arith.constant 0 : i32
        %dma_wait3A_598 = arith.constant 2 : i32
        %dma_wait3A_599 = arith.constant 0 : i32
        %dma_wait3A_600 = arith.constant 0 : i32
        %dma_wait3A_601 = tpu.memref_slice %arg7[%dma_wait3A_598, %dma_wait3A_599, %dma_wait3A_600] : memref<4x128x128xf32, #tpu.memory_space<vmem>> -> memref<1x128x128xf32, #tpu.memory_space<vmem>>
        %dma_wait3A_602 = tpu.memref_squeeze %dma_wait3A_601 : memref<1x128x128xf32, #tpu.memory_space<vmem>> -> memref<128x128xf32, #tpu.memory_space<vmem>>
        %dma_wait3A_603 = arith.constant 0 : i32
        %dma_wait3A_604 = tpu.memref_slice %arg6[%dma_wait3A_596, %dma_wait3A_597, %dma_wait3A_603] : memref<2x4x128xi32, #tpu.memory_space<vmem>> -> memref<1x1x128xi32, #tpu.memory_space<vmem>>
        %dma_wait3A_605 = tpu.memref_squeeze %dma_wait3A_604 : memref<1x1x128xi32, #tpu.memory_space<vmem>> -> memref<128xi32, #tpu.memory_space<vmem>>
        %dma_wait3A_606 = arith.constant 0 : i32
        %dma_wait3A_607 = arith.constant 0 : i32
        %dma_wait3A_608 = tpu.memref_slice %arg5[%dma_wait3A_606, %dma_wait3A_607] : memref<1000x128xf32, #tpu.memory_space<vmem_shared>> -> memref<1000x128xf32, #tpu.memory_space<vmem_shared>>
        tpu.wait_indirect_dma semaphore(%arg12 : memref<!tpu.dma_semaphore, #tpu.memory_space<semaphore_mem>>) src(%dma_wait3A_608 : memref<1000x128xf32, #tpu.memory_space<vmem_shared>>) dst(%dma_wait3A_602 : memref<128x128xf32, #tpu.memory_space<vmem>>)
        %sub3A_609 = arith.constant 2 : i32
        %sub3A_610 = arith.subi %add3A_139, %sub3A_609 : i32
        %mul3A_611 = arith.constant 128 : i32
        %mul3A_612 = arith.muli %sub3A_610, %mul3A_611 : i32
        %add3A_613 = arith.addi %mul3A_4, %mul3A_612 : i32
        %dma_start3A_614 = arith.constant 2 : i32
        %dma_start3A_615 = arith.constant 0 : i32
        %dma_start3A_616 = arith.constant 0 : i32
        %dma_start3A_617 = tpu.memref_slice %arg7[%dma_start3A_614, %dma_start3A_615, %dma_start3A_616] : memref<4x128x128xf32, #tpu.memory_space<vmem>> -> memref<1x128x128xf32, #tpu.memory_space<vmem>>
        %dma_start3A_618 = tpu.memref_squeeze %dma_start3A_617 : memref<1x128x128xf32, #tpu.memory_space<vmem>> -> memref<128x128xf32, #tpu.memory_space<vmem>>
        %dma_start3A_619 = arith.constant 0 : i32
        %dma_start3A_620 = tpu.memref_slice %arg4[%add3A_613, %dma_start3A_619] : memref<3276800x128xf32, #tpu.memory_space<hbm>> -> memref<128x128xf32, #tpu.memory_space<hbm>>
        %dma_start3A_621 = arith.constant 0 : i32
        %dma_start3A_622 = tpu.memref_slice %arg4[%add3A_613, %dma_start3A_621] : memref<3276800x128xf32, #tpu.memory_space<hbm>> -> memref<128x128xf32, #tpu.memory_space<hbm>>
        %dma_start3A_623 = arith.constant 0 : i32
        %dma_start3A_624 = arith.constant 0 : i32
        %dma_start3A_625 = tpu.memref_slice %arg7[%dma_start3A_614, %dma_start3A_623, %dma_start3A_624] : memref<4x128x128xf32, #tpu.memory_space<vmem>> -> memref<1x128x128xf32, #tpu.memory_space<vmem>>
        %dma_start3A_626 = tpu.memref_squeeze %dma_start3A_625 : memref<1x128x128xf32, #tpu.memory_space<vmem>> -> memref<128x128xf32, #tpu.memory_space<vmem>>
        tpu.enqueue_dma source(%dma_start3A_626 : memref<128x128xf32, #tpu.memory_space<vmem>>) target(%dma_start3A_622 : memref<128x128xf32, #tpu.memory_space<hbm>>) target_semaphore(%arg16 : memref<!tpu.dma_semaphore, #tpu.memory_space<semaphore_mem>>)
      } else {
      }
      %mul3A_163 = arith.constant 4 : i32
      %mul3A_164 = arith.muli %add3A_129, %mul3A_163 : i32
      %add3A_165 = arith.constant 1 : i32
      %add3A_166 = arith.addi %mul3A_164, %add3A_165 : i32
      %gt3A_167 = arith.constant 0 : i32
      %gt3A_168 = arith.cmpi sgt, %mul3A_127, %gt3A_167 : i32
      %convert_element_type3A_169 = arith.extui %gt3A_168 : i1 to i32
      %cond3A_170 = arith.constant 0 : i32
      %cond3A_171 = arith.cmpi ne, %convert_element_type3A_169, %cond3A_170 : i32
      scf.if %cond3A_171 {
        %sub3A_596 = arith.constant 4 : i32
        %sub3A_597 = arith.subi %add3A_166, %sub3A_596 : i32
        %mul3A_598 = arith.constant 128 : i32
        %mul3A_599 = arith.muli %sub3A_597, %mul3A_598 : i32
        %add3A_600 = arith.addi %mul3A_4, %mul3A_599 : i32
        %dma_wait3A_601 = arith.constant 1 : i32
        %dma_wait3A_602 = arith.constant 0 : i32
        %dma_wait3A_603 = arith.constant 0 : i32
        %dma_wait3A_604 = tpu.memref_slice %arg7[%dma_wait3A_601, %dma_wait3A_602, %dma_wait3A_603] : memref<4x128x128xf32, #tpu.memory_space<vmem>> -> memref<1x128x128xf32, #tpu.memory_space<vmem>>
        %dma_wait3A_605 = tpu.memref_squeeze %dma_wait3A_604 : memref<1x128x128xf32, #tpu.memory_space<vmem>> -> memref<128x128xf32, #tpu.memory_space<vmem>>
        %dma_wait3A_606 = arith.constant 0 : i32
        %dma_wait3A_607 = tpu.memref_slice %arg4[%add3A_600, %dma_wait3A_606] : memref<3276800x128xf32, #tpu.memory_space<hbm>> -> memref<128x128xf32, #tpu.memory_space<hbm>>
        %dma_wait3A_608 = arith.constant 0 : i32
        %dma_wait3A_609 = tpu.memref_slice %arg4[%add3A_600, %dma_wait3A_608] : memref<3276800x128xf32, #tpu.memory_space<hbm>> -> memref<128x128xf32, #tpu.memory_space<hbm>>
        %dma_wait3A_610 = arith.constant 0 : i32
        %dma_wait3A_611 = arith.constant 0 : i32
        %dma_wait3A_612 = tpu.memref_slice %arg7[%dma_wait3A_601, %dma_wait3A_610, %dma_wait3A_611] : memref<4x128x128xf32, #tpu.memory_space<vmem>> -> memref<1x128x128xf32, #tpu.memory_space<vmem>>
        %dma_wait3A_613 = tpu.memref_squeeze %dma_wait3A_612 : memref<1x128x128xf32, #tpu.memory_space<vmem>> -> memref<128x128xf32, #tpu.memory_space<vmem>>
        tpu.wait_dma2 semaphore(%arg15 : memref<!tpu.dma_semaphore, #tpu.memory_space<semaphore_mem>>) src(%dma_wait3A_613 : memref<128x128xf32, #tpu.memory_space<vmem>>) dst(%dma_wait3A_609 : memref<128x128xf32, #tpu.memory_space<hbm>>)
      } else {
      }
      %dma_start3A_172 = arith.constant 0 : i32
      %dma_start3A_173 = arith.constant 1 : i32
      %dma_start3A_174 = arith.constant 1 : i32
      %dma_start3A_175 = arith.constant 0 : i32
      %dma_start3A_176 = arith.constant 0 : i32
      %dma_start3A_177 = tpu.memref_slice %arg7[%dma_start3A_174, %dma_start3A_175, %dma_start3A_176] : memref<4x128x128xf32, #tpu.memory_space<vmem>> -> memref<1x128x128xf32, #tpu.memory_space<vmem>>
      %dma_start3A_178 = tpu.memref_squeeze %dma_start3A_177 : memref<1x128x128xf32, #tpu.memory_space<vmem>> -> memref<128x128xf32, #tpu.memory_space<vmem>>
      %dma_start3A_179 = arith.constant 0 : i32
      %dma_start3A_180 = tpu.memref_slice %arg6[%dma_start3A_172, %dma_start3A_173, %dma_start3A_179] : memref<2x4x128xi32, #tpu.memory_space<vmem>> -> memref<1x1x128xi32, #tpu.memory_space<vmem>>
      %dma_start3A_181 = tpu.memref_squeeze %dma_start3A_180 : memref<1x1x128xi32, #tpu.memory_space<vmem>> -> memref<128xi32, #tpu.memory_space<vmem>>
      %dma_start3A_182 = arith.constant 0 : i32
      %dma_start3A_183 = arith.constant 0 : i32
      %dma_start3A_184 = tpu.memref_slice %arg5[%dma_start3A_182, %dma_start3A_183] : memref<1000x128xf32, #tpu.memory_space<vmem_shared>> -> memref<1000x128xf32, #tpu.memory_space<vmem_shared>>
      tpu.enqueue_indirect_dma source(%dma_start3A_184 : memref<1000x128xf32, #tpu.memory_space<vmem_shared>>) target(%dma_start3A_178 : memref<128x128xf32, #tpu.memory_space<vmem>>) offsets(%dma_start3A_181 : memref<128xi32, #tpu.memory_space<vmem>>) semaphore(%arg11 : memref<!tpu.dma_semaphore, #tpu.memory_space<semaphore_mem>>)
      %gt3A_185 = arith.constant 0 : i32
      %gt3A_186 = arith.cmpi sgt, %mul3A_127, %gt3A_185 : i32
      %convert_element_type3A_187 = arith.extui %gt3A_186 : i1 to i32
      %cond3A_188 = arith.constant 0 : i32
      %cond3A_189 = arith.cmpi ne, %convert_element_type3A_187, %cond3A_188 : i32
      scf.if %cond3A_189 {
        %dma_wait3A_596 = arith.constant 0 : i32
        %dma_wait3A_597 = arith.constant 0 : i32
        %dma_wait3A_598 = arith.constant 3 : i32
        %dma_wait3A_599 = arith.constant 0 : i32
        %dma_wait3A_600 = arith.constant 0 : i32
        %dma_wait3A_601 = tpu.memref_slice %arg7[%dma_wait3A_598, %dma_wait3A_599, %dma_wait3A_600] : memref<4x128x128xf32, #tpu.memory_space<vmem>> -> memref<1x128x128xf32, #tpu.memory_space<vmem>>
        %dma_wait3A_602 = tpu.memref_squeeze %dma_wait3A_601 : memref<1x128x128xf32, #tpu.memory_space<vmem>> -> memref<128x128xf32, #tpu.memory_space<vmem>>
        %dma_wait3A_603 = arith.constant 0 : i32
        %dma_wait3A_604 = tpu.memref_slice %arg6[%dma_wait3A_596, %dma_wait3A_597, %dma_wait3A_603] : memref<2x4x128xi32, #tpu.memory_space<vmem>> -> memref<1x1x128xi32, #tpu.memory_space<vmem>>
        %dma_wait3A_605 = tpu.memref_squeeze %dma_wait3A_604 : memref<1x1x128xi32, #tpu.memory_space<vmem>> -> memref<128xi32, #tpu.memory_space<vmem>>
        %dma_wait3A_606 = arith.constant 0 : i32
        %dma_wait3A_607 = arith.constant 0 : i32
        %dma_wait3A_608 = tpu.memref_slice %arg5[%dma_wait3A_606, %dma_wait3A_607] : memref<1000x128xf32, #tpu.memory_space<vmem_shared>> -> memref<1000x128xf32, #tpu.memory_space<vmem_shared>>
        tpu.wait_indirect_dma semaphore(%arg13 : memref<!tpu.dma_semaphore, #tpu.memory_space<semaphore_mem>>) src(%dma_wait3A_608 : memref<1000x128xf32, #tpu.memory_space<vmem_shared>>) dst(%dma_wait3A_602 : memref<128x128xf32, #tpu.memory_space<vmem>>)
        %sub3A_609 = arith.constant 2 : i32
        %sub3A_610 = arith.subi %add3A_166, %sub3A_609 : i32
        %mul3A_611 = arith.constant 128 : i32
        %mul3A_612 = arith.muli %sub3A_610, %mul3A_611 : i32
        %add3A_613 = arith.addi %mul3A_4, %mul3A_612 : i32
        %dma_start3A_614 = arith.constant 3 : i32
        %dma_start3A_615 = arith.constant 0 : i32
        %dma_start3A_616 = arith.constant 0 : i32
        %dma_start3A_617 = tpu.memref_slice %arg7[%dma_start3A_614, %dma_start3A_615, %dma_start3A_616] : memref<4x128x128xf32, #tpu.memory_space<vmem>> -> memref<1x128x128xf32, #tpu.memory_space<vmem>>
        %dma_start3A_618 = tpu.memref_squeeze %dma_start3A_617 : memref<1x128x128xf32, #tpu.memory_space<vmem>> -> memref<128x128xf32, #tpu.memory_space<vmem>>
        %dma_start3A_619 = arith.constant 0 : i32
        %dma_start3A_620 = tpu.memref_slice %arg4[%add3A_613, %dma_start3A_619] : memref<3276800x128xf32, #tpu.memory_space<hbm>> -> memref<128x128xf32, #tpu.memory_space<hbm>>
        %dma_start3A_621 = arith.constant 0 : i32
        %dma_start3A_622 = tpu.memref_slice %arg4[%add3A_613, %dma_start3A_621] : memref<3276800x128xf32, #tpu.memory_space<hbm>> -> memref<128x128xf32, #tpu.memory_space<hbm>>
        %dma_start3A_623 = arith.constant 0 : i32
        %dma_start3A_624 = arith.constant 0 : i32
        %dma_start3A_625 = tpu.memref_slice %arg7[%dma_start3A_614, %dma_start3A_623, %dma_start3A_624] : memref<4x128x128xf32, #tpu.memory_space<vmem>> -> memref<1x128x128xf32, #tpu.memory_space<vmem>>
        %dma_start3A_626 = tpu.memref_squeeze %dma_start3A_625 : memref<1x128x128xf32, #tpu.memory_space<vmem>> -> memref<128x128xf32, #tpu.memory_space<vmem>>
        tpu.enqueue_dma source(%dma_start3A_626 : memref<128x128xf32, #tpu.memory_space<vmem>>) target(%dma_start3A_622 : memref<128x128xf32, #tpu.memory_space<hbm>>) target_semaphore(%arg17 : memref<!tpu.dma_semaphore, #tpu.memory_space<semaphore_mem>>)
      } else {
      }
      %mul3A_190 = arith.constant 4 : i32
      %mul3A_191 = arith.muli %add3A_129, %mul3A_190 : i32
      %add3A_192 = arith.constant 2 : i32
      %add3A_193 = arith.addi %mul3A_191, %add3A_192 : i32
      %mul3A_194 = arith.constant 4 : i32
      %mul3A_195 = arith.muli %add3A_135, %mul3A_194 : i32
      %add3A_196 = arith.addi %mul3A_2, %mul3A_195 : i32
      %dma_start3A_197 = arith.constant 1 : i32
      %dma_start3A_198 = arith.constant 0 : i32
      %dma_start3A_199 = arith.constant 0 : i32
      %dma_start3A_200 = tpu.memref_slice %arg6[%dma_start3A_197, %dma_start3A_198, %dma_start3A_199] : memref<2x4x128xi32, #tpu.memory_space<vmem>> -> memref<1x4x128xi32, #tpu.memory_space<vmem>>
      %dma_start3A_201 = tpu.memref_squeeze %dma_start3A_200 : memref<1x4x128xi32, #tpu.memory_space<vmem>> -> memref<4x128xi32, #tpu.memory_space<vmem>>
      %dma_start3A_202 = arith.constant 0 : i32
      %dma_start3A_203 = tpu.memref_slice %arg2[%add3A_196, %dma_start3A_202] : memref<25600x128xi32, #tpu.memory_space<hbm>> -> memref<4x128xi32, #tpu.memory_space<hbm>>
      %dma_start3A_204 = arith.constant 0 : i32
      %dma_start3A_205 = arith.constant 0 : i32
      %dma_start3A_206 = tpu.memref_slice %arg6[%dma_start3A_197, %dma_start3A_204, %dma_start3A_205] : memref<2x4x128xi32, #tpu.memory_space<vmem>> -> memref<1x4x128xi32, #tpu.memory_space<vmem>>
      %dma_start3A_207 = tpu.memref_squeeze %dma_start3A_206 : memref<1x4x128xi32, #tpu.memory_space<vmem>> -> memref<4x128xi32, #tpu.memory_space<vmem>>
      %dma_start3A_208 = arith.constant 0 : i32
      %dma_start3A_209 = tpu.memref_slice %arg2[%add3A_196, %dma_start3A_208] : memref<25600x128xi32, #tpu.memory_space<hbm>> -> memref<4x128xi32, #tpu.memory_space<hbm>>
      tpu.enqueue_dma source(%dma_start3A_209 : memref<4x128xi32, #tpu.memory_space<hbm>>) target(%dma_start3A_207 : memref<4x128xi32, #tpu.memory_space<vmem>>) target_semaphore(%arg9 : memref<!tpu.dma_semaphore, #tpu.memory_space<semaphore_mem>>)
      %gt3A_210 = arith.constant 0 : i32
      %gt3A_211 = arith.cmpi sgt, %mul3A_127, %gt3A_210 : i32
      %convert_element_type3A_212 = arith.extui %gt3A_211 : i1 to i32
      %cond3A_213 = arith.constant 0 : i32
      %cond3A_214 = arith.cmpi ne, %convert_element_type3A_212, %cond3A_213 : i32
      scf.if %cond3A_214 {
        %sub3A_596 = arith.constant 4 : i32
        %sub3A_597 = arith.subi %add3A_193, %sub3A_596 : i32
        %mul3A_598 = arith.constant 128 : i32
        %mul3A_599 = arith.muli %sub3A_597, %mul3A_598 : i32
        %add3A_600 = arith.addi %mul3A_4, %mul3A_599 : i32
        %dma_wait3A_601 = arith.constant 2 : i32
        %dma_wait3A_602 = arith.constant 0 : i32
        %dma_wait3A_603 = arith.constant 0 : i32
        %dma_wait3A_604 = tpu.memref_slice %arg7[%dma_wait3A_601, %dma_wait3A_602, %dma_wait3A_603] : memref<4x128x128xf32, #tpu.memory_space<vmem>> -> memref<1x128x128xf32, #tpu.memory_space<vmem>>
        %dma_wait3A_605 = tpu.memref_squeeze %dma_wait3A_604 : memref<1x128x128xf32, #tpu.memory_space<vmem>> -> memref<128x128xf32, #tpu.memory_space<vmem>>
        %dma_wait3A_606 = arith.constant 0 : i32
        %dma_wait3A_607 = tpu.memref_slice %arg4[%add3A_600, %dma_wait3A_606] : memref<3276800x128xf32, #tpu.memory_space<hbm>> -> memref<128x128xf32, #tpu.memory_space<hbm>>
        %dma_wait3A_608 = arith.constant 0 : i32
        %dma_wait3A_609 = tpu.memref_slice %arg4[%add3A_600, %dma_wait3A_608] : memref<3276800x128xf32, #tpu.memory_space<hbm>> -> memref<128x128xf32, #tpu.memory_space<hbm>>
        %dma_wait3A_610 = arith.constant 0 : i32
        %dma_wait3A_611 = arith.constant 0 : i32
        %dma_wait3A_612 = tpu.memref_slice %arg7[%dma_wait3A_601, %dma_wait3A_610, %dma_wait3A_611] : memref<4x128x128xf32, #tpu.memory_space<vmem>> -> memref<1x128x128xf32, #tpu.memory_space<vmem>>
        %dma_wait3A_613 = tpu.memref_squeeze %dma_wait3A_612 : memref<1x128x128xf32, #tpu.memory_space<vmem>> -> memref<128x128xf32, #tpu.memory_space<vmem>>
        tpu.wait_dma2 semaphore(%arg16 : memref<!tpu.dma_semaphore, #tpu.memory_space<semaphore_mem>>) src(%dma_wait3A_613 : memref<128x128xf32, #tpu.memory_space<vmem>>) dst(%dma_wait3A_609 : memref<128x128xf32, #tpu.memory_space<hbm>>)
      } else {
      }
      %dma_start3A_215 = arith.constant 0 : i32
      %dma_start3A_216 = arith.constant 2 : i32
      %dma_start3A_217 = arith.constant 2 : i32
      %dma_start3A_218 = arith.constant 0 : i32
      %dma_start3A_219 = arith.constant 0 : i32
      %dma_start3A_220 = tpu.memref_slice %arg7[%dma_start3A_217, %dma_start3A_218, %dma_start3A_219] : memref<4x128x128xf32, #tpu.memory_space<vmem>> -> memref<1x128x128xf32, #tpu.memory_space<vmem>>
      %dma_start3A_221 = tpu.memref_squeeze %dma_start3A_220 : memref<1x128x128xf32, #tpu.memory_space<vmem>> -> memref<128x128xf32, #tpu.memory_space<vmem>>
      %dma_start3A_222 = arith.constant 0 : i32
      %dma_start3A_223 = tpu.memref_slice %arg6[%dma_start3A_215, %dma_start3A_216, %dma_start3A_222] : memref<2x4x128xi32, #tpu.memory_space<vmem>> -> memref<1x1x128xi32, #tpu.memory_space<vmem>>
      %dma_start3A_224 = tpu.memref_squeeze %dma_start3A_223 : memref<1x1x128xi32, #tpu.memory_space<vmem>> -> memref<128xi32, #tpu.memory_space<vmem>>
      %dma_start3A_225 = arith.constant 0 : i32
      %dma_start3A_226 = arith.constant 0 : i32
      %dma_start3A_227 = tpu.memref_slice %arg5[%dma_start3A_225, %dma_start3A_226] : memref<1000x128xf32, #tpu.memory_space<vmem_shared>> -> memref<1000x128xf32, #tpu.memory_space<vmem_shared>>
      tpu.enqueue_indirect_dma source(%dma_start3A_227 : memref<1000x128xf32, #tpu.memory_space<vmem_shared>>) target(%dma_start3A_221 : memref<128x128xf32, #tpu.memory_space<vmem>>) offsets(%dma_start3A_224 : memref<128xi32, #tpu.memory_space<vmem>>) semaphore(%arg12 : memref<!tpu.dma_semaphore, #tpu.memory_space<semaphore_mem>>)
      %dma_wait3A_228 = arith.constant 0 : i32
      %dma_wait3A_229 = arith.constant 0 : i32
      %dma_wait3A_230 = arith.constant 0 : i32
      %dma_wait3A_231 = arith.constant 0 : i32
      %dma_wait3A_232 = arith.constant 0 : i32
      %dma_wait3A_233 = tpu.memref_slice %arg7[%dma_wait3A_230, %dma_wait3A_231, %dma_wait3A_232] : memref<4x128x128xf32, #tpu.memory_space<vmem>> -> memref<1x128x128xf32, #tpu.memory_space<vmem>>
      %dma_wait3A_234 = tpu.memref_squeeze %dma_wait3A_233 : memref<1x128x128xf32, #tpu.memory_space<vmem>> -> memref<128x128xf32, #tpu.memory_space<vmem>>
      %dma_wait3A_235 = arith.constant 0 : i32
      %dma_wait3A_236 = tpu.memref_slice %arg6[%dma_wait3A_228, %dma_wait3A_229, %dma_wait3A_235] : memref<2x4x128xi32, #tpu.memory_space<vmem>> -> memref<1x1x128xi32, #tpu.memory_space<vmem>>
      %dma_wait3A_237 = tpu.memref_squeeze %dma_wait3A_236 : memref<1x1x128xi32, #tpu.memory_space<vmem>> -> memref<128xi32, #tpu.memory_space<vmem>>
      %dma_wait3A_238 = arith.constant 0 : i32
      %dma_wait3A_239 = arith.constant 0 : i32
      %dma_wait3A_240 = tpu.memref_slice %arg5[%dma_wait3A_238, %dma_wait3A_239] : memref<1000x128xf32, #tpu.memory_space<vmem_shared>> -> memref<1000x128xf32, #tpu.memory_space<vmem_shared>>
      tpu.wait_indirect_dma semaphore(%arg10 : memref<!tpu.dma_semaphore, #tpu.memory_space<semaphore_mem>>) src(%dma_wait3A_240 : memref<1000x128xf32, #tpu.memory_space<vmem_shared>>) dst(%dma_wait3A_234 : memref<128x128xf32, #tpu.memory_space<vmem>>)
      %sub3A = arith.constant 2 : i32
      %sub3A_241 = arith.subi %add3A_193, %sub3A : i32
      %mul3A_242 = arith.constant 128 : i32
      %mul3A_243 = arith.muli %sub3A_241, %mul3A_242 : i32
      %add3A_244 = arith.addi %mul3A_4, %mul3A_243 : i32
      %dma_start3A_245 = arith.constant 0 : i32
      %dma_start3A_246 = arith.constant 0 : i32
      %dma_start3A_247 = arith.constant 0 : i32
      %dma_start3A_248 = tpu.memref_slice %arg7[%dma_start3A_245, %dma_start3A_246, %dma_start3A_247] : memref<4x128x128xf32, #tpu.memory_space<vmem>> -> memref<1x128x128xf32, #tpu.memory_space<vmem>>
      %dma_start3A_249 = tpu.memref_squeeze %dma_start3A_248 : memref<1x128x128xf32, #tpu.memory_space<vmem>> -> memref<128x128xf32, #tpu.memory_space<vmem>>
      %dma_start3A_250 = arith.constant 0 : i32
      %dma_start3A_251 = tpu.memref_slice %arg4[%add3A_244, %dma_start3A_250] : memref<3276800x128xf32, #tpu.memory_space<hbm>> -> memref<128x128xf32, #tpu.memory_space<hbm>>
      %dma_start3A_252 = arith.constant 0 : i32
      %dma_start3A_253 = tpu.memref_slice %arg4[%add3A_244, %dma_start3A_252] : memref<3276800x128xf32, #tpu.memory_space<hbm>> -> memref<128x128xf32, #tpu.memory_space<hbm>>
      %dma_start3A_254 = arith.constant 0 : i32
      %dma_start3A_255 = arith.constant 0 : i32
      %dma_start3A_256 = tpu.memref_slice %arg7[%dma_start3A_245, %dma_start3A_254, %dma_start3A_255] : memref<4x128x128xf32, #tpu.memory_space<vmem>> -> memref<1x128x128xf32, #tpu.memory_space<vmem>>
      %dma_start3A_257 = tpu.memref_squeeze %dma_start3A_256 : memref<1x128x128xf32, #tpu.memory_space<vmem>> -> memref<128x128xf32, #tpu.memory_space<vmem>>
      tpu.enqueue_dma source(%dma_start3A_257 : memref<128x128xf32, #tpu.memory_space<vmem>>) target(%dma_start3A_253 : memref<128x128xf32, #tpu.memory_space<hbm>>) target_semaphore(%arg14 : memref<!tpu.dma_semaphore, #tpu.memory_space<semaphore_mem>>)
      %mul3A_258 = arith.constant 4 : i32
      %mul3A_259 = arith.muli %add3A_129, %mul3A_258 : i32
      %add3A_260 = arith.constant 3 : i32
      %add3A_261 = arith.addi %mul3A_259, %add3A_260 : i32
      %gt3A_262 = arith.constant 0 : i32
      %gt3A_263 = arith.cmpi sgt, %mul3A_127, %gt3A_262 : i32
      %convert_element_type3A_264 = arith.extui %gt3A_263 : i1 to i32
      %cond3A_265 = arith.constant 0 : i32
      %cond3A_266 = arith.cmpi ne, %convert_element_type3A_264, %cond3A_265 : i32
      scf.if %cond3A_266 {
        %sub3A_596 = arith.constant 4 : i32
        %sub3A_597 = arith.subi %add3A_261, %sub3A_596 : i32
        %mul3A_598 = arith.constant 128 : i32
        %mul3A_599 = arith.muli %sub3A_597, %mul3A_598 : i32
        %add3A_600 = arith.addi %mul3A_4, %mul3A_599 : i32
        %dma_wait3A_601 = arith.constant 3 : i32
        %dma_wait3A_602 = arith.constant 0 : i32
        %dma_wait3A_603 = arith.constant 0 : i32
        %dma_wait3A_604 = tpu.memref_slice %arg7[%dma_wait3A_601, %dma_wait3A_602, %dma_wait3A_603] : memref<4x128x128xf32, #tpu.memory_space<vmem>> -> memref<1x128x128xf32, #tpu.memory_space<vmem>>
        %dma_wait3A_605 = tpu.memref_squeeze %dma_wait3A_604 : memref<1x128x128xf32, #tpu.memory_space<vmem>> -> memref<128x128xf32, #tpu.memory_space<vmem>>
        %dma_wait3A_606 = arith.constant 0 : i32
        %dma_wait3A_607 = tpu.memref_slice %arg4[%add3A_600, %dma_wait3A_606] : memref<3276800x128xf32, #tpu.memory_space<hbm>> -> memref<128x128xf32, #tpu.memory_space<hbm>>
        %dma_wait3A_608 = arith.constant 0 : i32
        %dma_wait3A_609 = tpu.memref_slice %arg4[%add3A_600, %dma_wait3A_608] : memref<3276800x128xf32, #tpu.memory_space<hbm>> -> memref<128x128xf32, #tpu.memory_space<hbm>>
        %dma_wait3A_610 = arith.constant 0 : i32
        %dma_wait3A_611 = arith.constant 0 : i32
        %dma_wait3A_612 = tpu.memref_slice %arg7[%dma_wait3A_601, %dma_wait3A_610, %dma_wait3A_611] : memref<4x128x128xf32, #tpu.memory_space<vmem>> -> memref<1x128x128xf32, #tpu.memory_space<vmem>>
        %dma_wait3A_613 = tpu.memref_squeeze %dma_wait3A_612 : memref<1x128x128xf32, #tpu.memory_space<vmem>> -> memref<128x128xf32, #tpu.memory_space<vmem>>
        tpu.wait_dma2 semaphore(%arg17 : memref<!tpu.dma_semaphore, #tpu.memory_space<semaphore_mem>>) src(%dma_wait3A_613 : memref<128x128xf32, #tpu.memory_space<vmem>>) dst(%dma_wait3A_609 : memref<128x128xf32, #tpu.memory_space<hbm>>)
      } else {
      }
      %dma_start3A_267 = arith.constant 0 : i32
      %dma_start3A_268 = arith.constant 3 : i32
      %dma_start3A_269 = arith.constant 3 : i32
      %dma_start3A_270 = arith.constant 0 : i32
      %dma_start3A_271 = arith.constant 0 : i32
      %dma_start3A_272 = tpu.memref_slice %arg7[%dma_start3A_269, %dma_start3A_270, %dma_start3A_271] : memref<4x128x128xf32, #tpu.memory_space<vmem>> -> memref<1x128x128xf32, #tpu.memory_space<vmem>>
      %dma_start3A_273 = tpu.memref_squeeze %dma_start3A_272 : memref<1x128x128xf32, #tpu.memory_space<vmem>> -> memref<128x128xf32, #tpu.memory_space<vmem>>
      %dma_start3A_274 = arith.constant 0 : i32
      %dma_start3A_275 = tpu.memref_slice %arg6[%dma_start3A_267, %dma_start3A_268, %dma_start3A_274] : memref<2x4x128xi32, #tpu.memory_space<vmem>> -> memref<1x1x128xi32, #tpu.memory_space<vmem>>
      %dma_start3A_276 = tpu.memref_squeeze %dma_start3A_275 : memref<1x1x128xi32, #tpu.memory_space<vmem>> -> memref<128xi32, #tpu.memory_space<vmem>>
      %dma_start3A_277 = arith.constant 0 : i32
      %dma_start3A_278 = arith.constant 0 : i32
      %dma_start3A_279 = tpu.memref_slice %arg5[%dma_start3A_277, %dma_start3A_278] : memref<1000x128xf32, #tpu.memory_space<vmem_shared>> -> memref<1000x128xf32, #tpu.memory_space<vmem_shared>>
      tpu.enqueue_indirect_dma source(%dma_start3A_279 : memref<1000x128xf32, #tpu.memory_space<vmem_shared>>) target(%dma_start3A_273 : memref<128x128xf32, #tpu.memory_space<vmem>>) offsets(%dma_start3A_276 : memref<128xi32, #tpu.memory_space<vmem>>) semaphore(%arg13 : memref<!tpu.dma_semaphore, #tpu.memory_space<semaphore_mem>>)
      %dma_wait3A_280 = arith.constant 0 : i32
      %dma_wait3A_281 = arith.constant 0 : i32
      %dma_wait3A_282 = arith.constant 1 : i32
      %dma_wait3A_283 = arith.constant 0 : i32
      %dma_wait3A_284 = arith.constant 0 : i32
      %dma_wait3A_285 = tpu.memref_slice %arg7[%dma_wait3A_282, %dma_wait3A_283, %dma_wait3A_284] : memref<4x128x128xf32, #tpu.memory_space<vmem>> -> memref<1x128x128xf32, #tpu.memory_space<vmem>>
      %dma_wait3A_286 = tpu.memref_squeeze %dma_wait3A_285 : memref<1x128x128xf32, #tpu.memory_space<vmem>> -> memref<128x128xf32, #tpu.memory_space<vmem>>
      %dma_wait3A_287 = arith.constant 0 : i32
      %dma_wait3A_288 = tpu.memref_slice %arg6[%dma_wait3A_280, %dma_wait3A_281, %dma_wait3A_287] : memref<2x4x128xi32, #tpu.memory_space<vmem>> -> memref<1x1x128xi32, #tpu.memory_space<vmem>>
      %dma_wait3A_289 = tpu.memref_squeeze %dma_wait3A_288 : memref<1x1x128xi32, #tpu.memory_space<vmem>> -> memref<128xi32, #tpu.memory_space<vmem>>
      %dma_wait3A_290 = arith.constant 0 : i32
      %dma_wait3A_291 = arith.constant 0 : i32
      %dma_wait3A_292 = tpu.memref_slice %arg5[%dma_wait3A_290, %dma_wait3A_291] : memref<1000x128xf32, #tpu.memory_space<vmem_shared>> -> memref<1000x128xf32, #tpu.memory_space<vmem_shared>>
      tpu.wait_indirect_dma semaphore(%arg11 : memref<!tpu.dma_semaphore, #tpu.memory_space<semaphore_mem>>) src(%dma_wait3A_292 : memref<1000x128xf32, #tpu.memory_space<vmem_shared>>) dst(%dma_wait3A_286 : memref<128x128xf32, #tpu.memory_space<vmem>>)
      %sub3A_293 = arith.constant 2 : i32
      %sub3A_294 = arith.subi %add3A_261, %sub3A_293 : i32
      %mul3A_295 = arith.constant 128 : i32
      %mul3A_296 = arith.muli %sub3A_294, %mul3A_295 : i32
      %add3A_297 = arith.addi %mul3A_4, %mul3A_296 : i32
      %dma_start3A_298 = arith.constant 1 : i32
      %dma_start3A_299 = arith.constant 0 : i32
      %dma_start3A_300 = arith.constant 0 : i32
      %dma_start3A_301 = tpu.memref_slice %arg7[%dma_start3A_298, %dma_start3A_299, %dma_start3A_300] : memref<4x128x128xf32, #tpu.memory_space<vmem>> -> memref<1x128x128xf32, #tpu.memory_space<vmem>>
      %dma_start3A_302 = tpu.memref_squeeze %dma_start3A_301 : memref<1x128x128xf32, #tpu.memory_space<vmem>> -> memref<128x128xf32, #tpu.memory_space<vmem>>
      %dma_start3A_303 = arith.constant 0 : i32
      %dma_start3A_304 = tpu.memref_slice %arg4[%add3A_297, %dma_start3A_303] : memref<3276800x128xf32, #tpu.memory_space<hbm>> -> memref<128x128xf32, #tpu.memory_space<hbm>>
      %dma_start3A_305 = arith.constant 0 : i32
      %dma_start3A_306 = tpu.memref_slice %arg4[%add3A_297, %dma_start3A_305] : memref<3276800x128xf32, #tpu.memory_space<hbm>> -> memref<128x128xf32, #tpu.memory_space<hbm>>
      %dma_start3A_307 = arith.constant 0 : i32
      %dma_start3A_308 = arith.constant 0 : i32
      %dma_start3A_309 = tpu.memref_slice %arg7[%dma_start3A_298, %dma_start3A_307, %dma_start3A_308] : memref<4x128x128xf32, #tpu.memory_space<vmem>> -> memref<1x128x128xf32, #tpu.memory_space<vmem>>
      %dma_start3A_310 = tpu.memref_squeeze %dma_start3A_309 : memref<1x128x128xf32, #tpu.memory_space<vmem>> -> memref<128x128xf32, #tpu.memory_space<vmem>>
      tpu.enqueue_dma source(%dma_start3A_310 : memref<128x128xf32, #tpu.memory_space<vmem>>) target(%dma_start3A_306 : memref<128x128xf32, #tpu.memory_space<hbm>>) target_semaphore(%arg15 : memref<!tpu.dma_semaphore, #tpu.memory_space<semaphore_mem>>)
      %add3A_311 = arith.constant 1 : i32
      %add3A_312 = arith.addi %mul3A_127, %add3A_311 : i32
      %dma_wait3A_313 = arith.constant 1 : i32
      %dma_wait3A_314 = arith.constant 0 : i32
      %dma_wait3A_315 = arith.constant 0 : i32
      %dma_wait3A_316 = tpu.memref_slice %arg6[%dma_wait3A_313, %dma_wait3A_314, %dma_wait3A_315] : memref<2x4x128xi32, #tpu.memory_space<vmem>> -> memref<1x4x128xi32, #tpu.memory_space<vmem>>
      %dma_wait3A_317 = tpu.memref_squeeze %dma_wait3A_316 : memref<1x4x128xi32, #tpu.memory_space<vmem>> -> memref<4x128xi32, #tpu.memory_space<vmem>>
      %dma_wait3A_318 = arith.constant 0 : i32
      %dma_wait3A_319 = tpu.memref_slice %arg2[%mul3A_2, %dma_wait3A_318] : memref<25600x128xi32, #tpu.memory_space<hbm>> -> memref<4x128xi32, #tpu.memory_space<hbm>>
      %dma_wait3A_320 = arith.constant 0 : i32
      %dma_wait3A_321 = arith.constant 0 : i32
      %dma_wait3A_322 = tpu.memref_slice %arg6[%dma_wait3A_313, %dma_wait3A_320, %dma_wait3A_321] : memref<2x4x128xi32, #tpu.memory_space<vmem>> -> memref<1x4x128xi32, #tpu.memory_space<vmem>>
      %dma_wait3A_323 = tpu.memref_squeeze %dma_wait3A_322 : memref<1x4x128xi32, #tpu.memory_space<vmem>> -> memref<4x128xi32, #tpu.memory_space<vmem>>
      %dma_wait3A_324 = arith.constant 0 : i32
      %dma_wait3A_325 = tpu.memref_slice %arg2[%mul3A_2, %dma_wait3A_324] : memref<25600x128xi32, #tpu.memory_space<hbm>> -> memref<4x128xi32, #tpu.memory_space<hbm>>
      tpu.wait_dma2 semaphore(%arg9 : memref<!tpu.dma_semaphore, #tpu.memory_space<semaphore_mem>>) src(%dma_wait3A_325 : memref<4x128xi32, #tpu.memory_space<hbm>>) dst(%dma_wait3A_323 : memref<4x128xi32, #tpu.memory_space<vmem>>)
      %add3A_326 = arith.constant 1 : i32
      %add3A_327 = arith.addi %add3A_312, %add3A_326 : i32
      %mul3A_328 = arith.constant 4 : i32
      %mul3A_329 = arith.muli %add3A_312, %mul3A_328 : i32
      %add3A_330 = arith.constant 0 : i32
      %add3A_331 = arith.addi %mul3A_329, %add3A_330 : i32
      %sub3A_332 = arith.constant 4 : i32
      %sub3A_333 = arith.subi %add3A_331, %sub3A_332 : i32
      %mul3A_334 = arith.constant 128 : i32
      %mul3A_335 = arith.muli %sub3A_333, %mul3A_334 : i32
      %add3A_336 = arith.addi %mul3A_4, %mul3A_335 : i32
      %dma_wait3A_337 = arith.constant 0 : i32
      %dma_wait3A_338 = arith.constant 0 : i32
      %dma_wait3A_339 = arith.constant 0 : i32
      %dma_wait3A_340 = tpu.memref_slice %arg7[%dma_wait3A_337, %dma_wait3A_338, %dma_wait3A_339] : memref<4x128x128xf32, #tpu.memory_space<vmem>> -> memref<1x128x128xf32, #tpu.memory_space<vmem>>
      %dma_wait3A_341 = tpu.memref_squeeze %dma_wait3A_340 : memref<1x128x128xf32, #tpu.memory_space<vmem>> -> memref<128x128xf32, #tpu.memory_space<vmem>>
      %dma_wait3A_342 = arith.constant 0 : i32
      %dma_wait3A_343 = tpu.memref_slice %arg4[%add3A_336, %dma_wait3A_342] : memref<3276800x128xf32, #tpu.memory_space<hbm>> -> memref<128x128xf32, #tpu.memory_space<hbm>>
      %dma_wait3A_344 = arith.constant 0 : i32
      %dma_wait3A_345 = tpu.memref_slice %arg4[%add3A_336, %dma_wait3A_344] : memref<3276800x128xf32, #tpu.memory_space<hbm>> -> memref<128x128xf32, #tpu.memory_space<hbm>>
      %dma_wait3A_346 = arith.constant 0 : i32
      %dma_wait3A_347 = arith.constant 0 : i32
      %dma_wait3A_348 = tpu.memref_slice %arg7[%dma_wait3A_337, %dma_wait3A_346, %dma_wait3A_347] : memref<4x128x128xf32, #tpu.memory_space<vmem>> -> memref<1x128x128xf32, #tpu.memory_space<vmem>>
      %dma_wait3A_349 = tpu.memref_squeeze %dma_wait3A_348 : memref<1x128x128xf32, #tpu.memory_space<vmem>> -> memref<128x128xf32, #tpu.memory_space<vmem>>
      tpu.wait_dma2 semaphore(%arg14 : memref<!tpu.dma_semaphore, #tpu.memory_space<semaphore_mem>>) src(%dma_wait3A_349 : memref<128x128xf32, #tpu.memory_space<vmem>>) dst(%dma_wait3A_345 : memref<128x128xf32, #tpu.memory_space<hbm>>)
      %dma_start3A_350 = arith.constant 1 : i32
      %dma_start3A_351 = arith.constant 0 : i32
      %dma_start3A_352 = arith.constant 0 : i32
      %dma_start3A_353 = arith.constant 0 : i32
      %dma_start3A_354 = arith.constant 0 : i32
      %dma_start3A_355 = tpu.memref_slice %arg7[%dma_start3A_352, %dma_start3A_353, %dma_start3A_354] : memref<4x128x128xf32, #tpu.memory_space<vmem>> -> memref<1x128x128xf32, #tpu.memory_space<vmem>>
      %dma_start3A_356 = tpu.memref_squeeze %dma_start3A_355 : memref<1x128x128xf32, #tpu.memory_space<vmem>> -> memref<128x128xf32, #tpu.memory_space<vmem>>
      %dma_start3A_357 = arith.constant 0 : i32
      %dma_start3A_358 = tpu.memref_slice %arg6[%dma_start3A_350, %dma_start3A_351, %dma_start3A_357] : memref<2x4x128xi32, #tpu.memory_space<vmem>> -> memref<1x1x128xi32, #tpu.memory_space<vmem>>
      %dma_start3A_359 = tpu.memref_squeeze %dma_start3A_358 : memref<1x1x128xi32, #tpu.memory_space<vmem>> -> memref<128xi32, #tpu.memory_space<vmem>>
      %dma_start3A_360 = arith.constant 0 : i32
      %dma_start3A_361 = arith.constant 0 : i32
      %dma_start3A_362 = tpu.memref_slice %arg5[%dma_start3A_360, %dma_start3A_361] : memref<1000x128xf32, #tpu.memory_space<vmem_shared>> -> memref<1000x128xf32, #tpu.memory_space<vmem_shared>>
      tpu.enqueue_indirect_dma source(%dma_start3A_362 : memref<1000x128xf32, #tpu.memory_space<vmem_shared>>) target(%dma_start3A_356 : memref<128x128xf32, #tpu.memory_space<vmem>>) offsets(%dma_start3A_359 : memref<128xi32, #tpu.memory_space<vmem>>) semaphore(%arg10 : memref<!tpu.dma_semaphore, #tpu.memory_space<semaphore_mem>>)
      %dma_wait3A_363 = arith.constant 0 : i32
      %dma_wait3A_364 = arith.constant 0 : i32
      %dma_wait3A_365 = arith.constant 2 : i32
      %dma_wait3A_366 = arith.constant 0 : i32
      %dma_wait3A_367 = arith.constant 0 : i32
      %dma_wait3A_368 = tpu.memref_slice %arg7[%dma_wait3A_365, %dma_wait3A_366, %dma_wait3A_367] : memref<4x128x128xf32, #tpu.memory_space<vmem>> -> memref<1x128x128xf32, #tpu.memory_space<vmem>>
      %dma_wait3A_369 = tpu.memref_squeeze %dma_wait3A_368 : memref<1x128x128xf32, #tpu.memory_space<vmem>> -> memref<128x128xf32, #tpu.memory_space<vmem>>
      %dma_wait3A_370 = arith.constant 0 : i32
      %dma_wait3A_371 = tpu.memref_slice %arg6[%dma_wait3A_363, %dma_wait3A_364, %dma_wait3A_370] : memref<2x4x128xi32, #tpu.memory_space<vmem>> -> memref<1x1x128xi32, #tpu.memory_space<vmem>>
      %dma_wait3A_372 = tpu.memref_squeeze %dma_wait3A_371 : memref<1x1x128xi32, #tpu.memory_space<vmem>> -> memref<128xi32, #tpu.memory_space<vmem>>
      %dma_wait3A_373 = arith.constant 0 : i32
      %dma_wait3A_374 = arith.constant 0 : i32
      %dma_wait3A_375 = tpu.memref_slice %arg5[%dma_wait3A_373, %dma_wait3A_374] : memref<1000x128xf32, #tpu.memory_space<vmem_shared>> -> memref<1000x128xf32, #tpu.memory_space<vmem_shared>>
      tpu.wait_indirect_dma semaphore(%arg12 : memref<!tpu.dma_semaphore, #tpu.memory_space<semaphore_mem>>) src(%dma_wait3A_375 : memref<1000x128xf32, #tpu.memory_space<vmem_shared>>) dst(%dma_wait3A_369 : memref<128x128xf32, #tpu.memory_space<vmem>>)
      %sub3A_376 = arith.constant 2 : i32
      %sub3A_377 = arith.subi %add3A_331, %sub3A_376 : i32
      %mul3A_378 = arith.constant 128 : i32
      %mul3A_379 = arith.muli %sub3A_377, %mul3A_378 : i32
      %add3A_380 = arith.addi %mul3A_4, %mul3A_379 : i32
      %dma_start3A_381 = arith.constant 2 : i32
      %dma_start3A_382 = arith.constant 0 : i32
      %dma_start3A_383 = arith.constant 0 : i32
      %dma_start3A_384 = tpu.memref_slice %arg7[%dma_start3A_381, %dma_start3A_382, %dma_start3A_383] : memref<4x128x128xf32, #tpu.memory_space<vmem>> -> memref<1x128x128xf32, #tpu.memory_space<vmem>>
      %dma_start3A_385 = tpu.memref_squeeze %dma_start3A_384 : memref<1x128x128xf32, #tpu.memory_space<vmem>> -> memref<128x128xf32, #tpu.memory_space<vmem>>
      %dma_start3A_386 = arith.constant 0 : i32
      %dma_start3A_387 = tpu.memref_slice %arg4[%add3A_380, %dma_start3A_386] : memref<3276800x128xf32, #tpu.memory_space<hbm>> -> memref<128x128xf32, #tpu.memory_space<hbm>>
      %dma_start3A_388 = arith.constant 0 : i32
      %dma_start3A_389 = tpu.memref_slice %arg4[%add3A_380, %dma_start3A_388] : memref<3276800x128xf32, #tpu.memory_space<hbm>> -> memref<128x128xf32, #tpu.memory_space<hbm>>
      %dma_start3A_390 = arith.constant 0 : i32
      %dma_start3A_391 = arith.constant 0 : i32
      %dma_start3A_392 = tpu.memref_slice %arg7[%dma_start3A_381, %dma_start3A_390, %dma_start3A_391] : memref<4x128x128xf32, #tpu.memory_space<vmem>> -> memref<1x128x128xf32, #tpu.memory_space<vmem>>
      %dma_start3A_393 = tpu.memref_squeeze %dma_start3A_392 : memref<1x128x128xf32, #tpu.memory_space<vmem>> -> memref<128x128xf32, #tpu.memory_space<vmem>>
      tpu.enqueue_dma source(%dma_start3A_393 : memref<128x128xf32, #tpu.memory_space<vmem>>) target(%dma_start3A_389 : memref<128x128xf32, #tpu.memory_space<hbm>>) target_semaphore(%arg16 : memref<!tpu.dma_semaphore, #tpu.memory_space<semaphore_mem>>)
      %mul3A_394 = arith.constant 4 : i32
      %mul3A_395 = arith.muli %add3A_312, %mul3A_394 : i32
      %add3A_396 = arith.constant 1 : i32
      %add3A_397 = arith.addi %mul3A_395, %add3A_396 : i32
      %sub3A_398 = arith.constant 4 : i32
      %sub3A_399 = arith.subi %add3A_397, %sub3A_398 : i32
      %mul3A_400 = arith.constant 128 : i32
      %mul3A_401 = arith.muli %sub3A_399, %mul3A_400 : i32
      %add3A_402 = arith.addi %mul3A_4, %mul3A_401 : i32
      %dma_wait3A_403 = arith.constant 1 : i32
      %dma_wait3A_404 = arith.constant 0 : i32
      %dma_wait3A_405 = arith.constant 0 : i32
      %dma_wait3A_406 = tpu.memref_slice %arg7[%dma_wait3A_403, %dma_wait3A_404, %dma_wait3A_405] : memref<4x128x128xf32, #tpu.memory_space<vmem>> -> memref<1x128x128xf32, #tpu.memory_space<vmem>>
      %dma_wait3A_407 = tpu.memref_squeeze %dma_wait3A_406 : memref<1x128x128xf32, #tpu.memory_space<vmem>> -> memref<128x128xf32, #tpu.memory_space<vmem>>
      %dma_wait3A_408 = arith.constant 0 : i32
      %dma_wait3A_409 = tpu.memref_slice %arg4[%add3A_402, %dma_wait3A_408] : memref<3276800x128xf32, #tpu.memory_space<hbm>> -> memref<128x128xf32, #tpu.memory_space<hbm>>
      %dma_wait3A_410 = arith.constant 0 : i32
      %dma_wait3A_411 = tpu.memref_slice %arg4[%add3A_402, %dma_wait3A_410] : memref<3276800x128xf32, #tpu.memory_space<hbm>> -> memref<128x128xf32, #tpu.memory_space<hbm>>
      %dma_wait3A_412 = arith.constant 0 : i32
      %dma_wait3A_413 = arith.constant 0 : i32
      %dma_wait3A_414 = tpu.memref_slice %arg7[%dma_wait3A_403, %dma_wait3A_412, %dma_wait3A_413] : memref<4x128x128xf32, #tpu.memory_space<vmem>> -> memref<1x128x128xf32, #tpu.memory_space<vmem>>
      %dma_wait3A_415 = tpu.memref_squeeze %dma_wait3A_414 : memref<1x128x128xf32, #tpu.memory_space<vmem>> -> memref<128x128xf32, #tpu.memory_space<vmem>>
      tpu.wait_dma2 semaphore(%arg15 : memref<!tpu.dma_semaphore, #tpu.memory_space<semaphore_mem>>) src(%dma_wait3A_415 : memref<128x128xf32, #tpu.memory_space<vmem>>) dst(%dma_wait3A_411 : memref<128x128xf32, #tpu.memory_space<hbm>>)
      %dma_start3A_416 = arith.constant 1 : i32
      %dma_start3A_417 = arith.constant 1 : i32
      %dma_start3A_418 = arith.constant 1 : i32
      %dma_start3A_419 = arith.constant 0 : i32
      %dma_start3A_420 = arith.constant 0 : i32
      %dma_start3A_421 = tpu.memref_slice %arg7[%dma_start3A_418, %dma_start3A_419, %dma_start3A_420] : memref<4x128x128xf32, #tpu.memory_space<vmem>> -> memref<1x128x128xf32, #tpu.memory_space<vmem>>
      %dma_start3A_422 = tpu.memref_squeeze %dma_start3A_421 : memref<1x128x128xf32, #tpu.memory_space<vmem>> -> memref<128x128xf32, #tpu.memory_space<vmem>>
      %dma_start3A_423 = arith.constant 0 : i32
      %dma_start3A_424 = tpu.memref_slice %arg6[%dma_start3A_416, %dma_start3A_417, %dma_start3A_423] : memref<2x4x128xi32, #tpu.memory_space<vmem>> -> memref<1x1x128xi32, #tpu.memory_space<vmem>>
      %dma_start3A_425 = tpu.memref_squeeze %dma_start3A_424 : memref<1x1x128xi32, #tpu.memory_space<vmem>> -> memref<128xi32, #tpu.memory_space<vmem>>
      %dma_start3A_426 = arith.constant 0 : i32
      %dma_start3A_427 = arith.constant 0 : i32
      %dma_start3A_428 = tpu.memref_slice %arg5[%dma_start3A_426, %dma_start3A_427] : memref<1000x128xf32, #tpu.memory_space<vmem_shared>> -> memref<1000x128xf32, #tpu.memory_space<vmem_shared>>
      tpu.enqueue_indirect_dma source(%dma_start3A_428 : memref<1000x128xf32, #tpu.memory_space<vmem_shared>>) target(%dma_start3A_422 : memref<128x128xf32, #tpu.memory_space<vmem>>) offsets(%dma_start3A_425 : memref<128xi32, #tpu.memory_space<vmem>>) semaphore(%arg11 : memref<!tpu.dma_semaphore, #tpu.memory_space<semaphore_mem>>)
      %dma_wait3A_429 = arith.constant 0 : i32
      %dma_wait3A_430 = arith.constant 0 : i32
      %dma_wait3A_431 = arith.constant 3 : i32
      %dma_wait3A_432 = arith.constant 0 : i32
      %dma_wait3A_433 = arith.constant 0 : i32
      %dma_wait3A_434 = tpu.memref_slice %arg7[%dma_wait3A_431, %dma_wait3A_432, %dma_wait3A_433] : memref<4x128x128xf32, #tpu.memory_space<vmem>> -> memref<1x128x128xf32, #tpu.memory_space<vmem>>
      %dma_wait3A_435 = tpu.memref_squeeze %dma_wait3A_434 : memref<1x128x128xf32, #tpu.memory_space<vmem>> -> memref<128x128xf32, #tpu.memory_space<vmem>>
      %dma_wait3A_436 = arith.constant 0 : i32
      %dma_wait3A_437 = tpu.memref_slice %arg6[%dma_wait3A_429, %dma_wait3A_430, %dma_wait3A_436] : memref<2x4x128xi32, #tpu.memory_space<vmem>> -> memref<1x1x128xi32, #tpu.memory_space<vmem>>
      %dma_wait3A_438 = tpu.memref_squeeze %dma_wait3A_437 : memref<1x1x128xi32, #tpu.memory_space<vmem>> -> memref<128xi32, #tpu.memory_space<vmem>>
      %dma_wait3A_439 = arith.constant 0 : i32
      %dma_wait3A_440 = arith.constant 0 : i32
      %dma_wait3A_441 = tpu.memref_slice %arg5[%dma_wait3A_439, %dma_wait3A_440] : memref<1000x128xf32, #tpu.memory_space<vmem_shared>> -> memref<1000x128xf32, #tpu.memory_space<vmem_shared>>
      tpu.wait_indirect_dma semaphore(%arg13 : memref<!tpu.dma_semaphore, #tpu.memory_space<semaphore_mem>>) src(%dma_wait3A_441 : memref<1000x128xf32, #tpu.memory_space<vmem_shared>>) dst(%dma_wait3A_435 : memref<128x128xf32, #tpu.memory_space<vmem>>)
      %sub3A_442 = arith.constant 2 : i32
      %sub3A_443 = arith.subi %add3A_397, %sub3A_442 : i32
      %mul3A_444 = arith.constant 128 : i32
      %mul3A_445 = arith.muli %sub3A_443, %mul3A_444 : i32
      %add3A_446 = arith.addi %mul3A_4, %mul3A_445 : i32
      %dma_start3A_447 = arith.constant 3 : i32
      %dma_start3A_448 = arith.constant 0 : i32
      %dma_start3A_449 = arith.constant 0 : i32
      %dma_start3A_450 = tpu.memref_slice %arg7[%dma_start3A_447, %dma_start3A_448, %dma_start3A_449] : memref<4x128x128xf32, #tpu.memory_space<vmem>> -> memref<1x128x128xf32, #tpu.memory_space<vmem>>
      %dma_start3A_451 = tpu.memref_squeeze %dma_start3A_450 : memref<1x128x128xf32, #tpu.memory_space<vmem>> -> memref<128x128xf32, #tpu.memory_space<vmem>>
      %dma_start3A_452 = arith.constant 0 : i32
      %dma_start3A_453 = tpu.memref_slice %arg4[%add3A_446, %dma_start3A_452] : memref<3276800x128xf32, #tpu.memory_space<hbm>> -> memref<128x128xf32, #tpu.memory_space<hbm>>
      %dma_start3A_454 = arith.constant 0 : i32
      %dma_start3A_455 = tpu.memref_slice %arg4[%add3A_446, %dma_start3A_454] : memref<3276800x128xf32, #tpu.memory_space<hbm>> -> memref<128x128xf32, #tpu.memory_space<hbm>>
      %dma_start3A_456 = arith.constant 0 : i32
      %dma_start3A_457 = arith.constant 0 : i32
      %dma_start3A_458 = tpu.memref_slice %arg7[%dma_start3A_447, %dma_start3A_456, %dma_start3A_457] : memref<4x128x128xf32, #tpu.memory_space<vmem>> -> memref<1x128x128xf32, #tpu.memory_space<vmem>>
      %dma_start3A_459 = tpu.memref_squeeze %dma_start3A_458 : memref<1x128x128xf32, #tpu.memory_space<vmem>> -> memref<128x128xf32, #tpu.memory_space<vmem>>
      tpu.enqueue_dma source(%dma_start3A_459 : memref<128x128xf32, #tpu.memory_space<vmem>>) target(%dma_start3A_455 : memref<128x128xf32, #tpu.memory_space<hbm>>) target_semaphore(%arg17 : memref<!tpu.dma_semaphore, #tpu.memory_space<semaphore_mem>>)
      %mul3A_460 = arith.constant 4 : i32
      %mul3A_461 = arith.muli %add3A_312, %mul3A_460 : i32
      %add3A_462 = arith.constant 2 : i32
      %add3A_463 = arith.addi %mul3A_461, %add3A_462 : i32
      %lt3A = arith.constant 198 : i32
      %lt3A_464 = arith.cmpi slt, %mul3A_127, %lt3A : i32
      %convert_element_type3A_465 = arith.extui %lt3A_464 : i1 to i32
      %cond3A_466 = arith.constant 0 : i32
      %cond3A_467 = arith.cmpi ne, %convert_element_type3A_465, %cond3A_466 : i32
      scf.if %cond3A_467 {
        %mul3A_596 = arith.constant 4 : i32
        %mul3A_597 = arith.muli %add3A_327, %mul3A_596 : i32
        %add3A_598 = arith.addi %mul3A_2, %mul3A_597 : i32
        %dma_start3A_599 = arith.constant 0 : i32
        %dma_start3A_600 = arith.constant 0 : i32
        %dma_start3A_601 = arith.constant 0 : i32
        %dma_start3A_602 = tpu.memref_slice %arg6[%dma_start3A_599, %dma_start3A_600, %dma_start3A_601] : memref<2x4x128xi32, #tpu.memory_space<vmem>> -> memref<1x4x128xi32, #tpu.memory_space<vmem>>
        %dma_start3A_603 = tpu.memref_squeeze %dma_start3A_602 : memref<1x4x128xi32, #tpu.memory_space<vmem>> -> memref<4x128xi32, #tpu.memory_space<vmem>>
        %dma_start3A_604 = arith.constant 0 : i32
        %dma_start3A_605 = tpu.memref_slice %arg2[%add3A_598, %dma_start3A_604] : memref<25600x128xi32, #tpu.memory_space<hbm>> -> memref<4x128xi32, #tpu.memory_space<hbm>>
        %dma_start3A_606 = arith.constant 0 : i32
        %dma_start3A_607 = arith.constant 0 : i32
        %dma_start3A_608 = tpu.memref_slice %arg6[%dma_start3A_599, %dma_start3A_606, %dma_start3A_607] : memref<2x4x128xi32, #tpu.memory_space<vmem>> -> memref<1x4x128xi32, #tpu.memory_space<vmem>>
        %dma_start3A_609 = tpu.memref_squeeze %dma_start3A_608 : memref<1x4x128xi32, #tpu.memory_space<vmem>> -> memref<4x128xi32, #tpu.memory_space<vmem>>
        %dma_start3A_610 = arith.constant 0 : i32
        %dma_start3A_611 = tpu.memref_slice %arg2[%add3A_598, %dma_start3A_610] : memref<25600x128xi32, #tpu.memory_space<hbm>> -> memref<4x128xi32, #tpu.memory_space<hbm>>
        tpu.enqueue_dma source(%dma_start3A_611 : memref<4x128xi32, #tpu.memory_space<hbm>>) target(%dma_start3A_609 : memref<4x128xi32, #tpu.memory_space<vmem>>) target_semaphore(%arg8 : memref<!tpu.dma_semaphore, #tpu.memory_space<semaphore_mem>>)
      } else {
      }
      %sub3A_468 = arith.constant 4 : i32
      %sub3A_469 = arith.subi %add3A_463, %sub3A_468 : i32
      %mul3A_470 = arith.constant 128 : i32
      %mul3A_471 = arith.muli %sub3A_469, %mul3A_470 : i32
      %add3A_472 = arith.addi %mul3A_4, %mul3A_471 : i32
      %dma_wait3A_473 = arith.constant 2 : i32
      %dma_wait3A_474 = arith.constant 0 : i32
      %dma_wait3A_475 = arith.constant 0 : i32
      %dma_wait3A_476 = tpu.memref_slice %arg7[%dma_wait3A_473, %dma_wait3A_474, %dma_wait3A_475] : memref<4x128x128xf32, #tpu.memory_space<vmem>> -> memref<1x128x128xf32, #tpu.memory_space<vmem>>
      %dma_wait3A_477 = tpu.memref_squeeze %dma_wait3A_476 : memref<1x128x128xf32, #tpu.memory_space<vmem>> -> memref<128x128xf32, #tpu.memory_space<vmem>>
      %dma_wait3A_478 = arith.constant 0 : i32
      %dma_wait3A_479 = tpu.memref_slice %arg4[%add3A_472, %dma_wait3A_478] : memref<3276800x128xf32, #tpu.memory_space<hbm>> -> memref<128x128xf32, #tpu.memory_space<hbm>>
      %dma_wait3A_480 = arith.constant 0 : i32
      %dma_wait3A_481 = tpu.memref_slice %arg4[%add3A_472, %dma_wait3A_480] : memref<3276800x128xf32, #tpu.memory_space<hbm>> -> memref<128x128xf32, #tpu.memory_space<hbm>>
      %dma_wait3A_482 = arith.constant 0 : i32
      %dma_wait3A_483 = arith.constant 0 : i32
      %dma_wait3A_484 = tpu.memref_slice %arg7[%dma_wait3A_473, %dma_wait3A_482, %dma_wait3A_483] : memref<4x128x128xf32, #tpu.memory_space<vmem>> -> memref<1x128x128xf32, #tpu.memory_space<vmem>>
      %dma_wait3A_485 = tpu.memref_squeeze %dma_wait3A_484 : memref<1x128x128xf32, #tpu.memory_space<vmem>> -> memref<128x128xf32, #tpu.memory_space<vmem>>
      tpu.wait_dma2 semaphore(%arg16 : memref<!tpu.dma_semaphore, #tpu.memory_space<semaphore_mem>>) src(%dma_wait3A_485 : memref<128x128xf32, #tpu.memory_space<vmem>>) dst(%dma_wait3A_481 : memref<128x128xf32, #tpu.memory_space<hbm>>)
      %dma_start3A_486 = arith.constant 1 : i32
      %dma_start3A_487 = arith.constant 2 : i32
      %dma_start3A_488 = arith.constant 2 : i32
      %dma_start3A_489 = arith.constant 0 : i32
      %dma_start3A_490 = arith.constant 0 : i32
      %dma_start3A_491 = tpu.memref_slice %arg7[%dma_start3A_488, %dma_start3A_489, %dma_start3A_490] : memref<4x128x128xf32, #tpu.memory_space<vmem>> -> memref<1x128x128xf32, #tpu.memory_space<vmem>>
      %dma_start3A_492 = tpu.memref_squeeze %dma_start3A_491 : memref<1x128x128xf32, #tpu.memory_space<vmem>> -> memref<128x128xf32, #tpu.memory_space<vmem>>
      %dma_start3A_493 = arith.constant 0 : i32
      %dma_start3A_494 = tpu.memref_slice %arg6[%dma_start3A_486, %dma_start3A_487, %dma_start3A_493] : memref<2x4x128xi32, #tpu.memory_space<vmem>> -> memref<1x1x128xi32, #tpu.memory_space<vmem>>
      %dma_start3A_495 = tpu.memref_squeeze %dma_start3A_494 : memref<1x1x128xi32, #tpu.memory_space<vmem>> -> memref<128xi32, #tpu.memory_space<vmem>>
      %dma_start3A_496 = arith.constant 0 : i32
      %dma_start3A_497 = arith.constant 0 : i32
      %dma_start3A_498 = tpu.memref_slice %arg5[%dma_start3A_496, %dma_start3A_497] : memref<1000x128xf32, #tpu.memory_space<vmem_shared>> -> memref<1000x128xf32, #tpu.memory_space<vmem_shared>>
      tpu.enqueue_indirect_dma source(%dma_start3A_498 : memref<1000x128xf32, #tpu.memory_space<vmem_shared>>) target(%dma_start3A_492 : memref<128x128xf32, #tpu.memory_space<vmem>>) offsets(%dma_start3A_495 : memref<128xi32, #tpu.memory_space<vmem>>) semaphore(%arg12 : memref<!tpu.dma_semaphore, #tpu.memory_space<semaphore_mem>>)
      %dma_wait3A_499 = arith.constant 0 : i32
      %dma_wait3A_500 = arith.constant 0 : i32
      %dma_wait3A_501 = arith.constant 0 : i32
      %dma_wait3A_502 = arith.constant 0 : i32
      %dma_wait3A_503 = arith.constant 0 : i32
      %dma_wait3A_504 = tpu.memref_slice %arg7[%dma_wait3A_501, %dma_wait3A_502, %dma_wait3A_503] : memref<4x128x128xf32, #tpu.memory_space<vmem>> -> memref<1x128x128xf32, #tpu.memory_space<vmem>>
      %dma_wait3A_505 = tpu.memref_squeeze %dma_wait3A_504 : memref<1x128x128xf32, #tpu.memory_space<vmem>> -> memref<128x128xf32, #tpu.memory_space<vmem>>
      %dma_wait3A_506 = arith.constant 0 : i32
      %dma_wait3A_507 = tpu.memref_slice %arg6[%dma_wait3A_499, %dma_wait3A_500, %dma_wait3A_506] : memref<2x4x128xi32, #tpu.memory_space<vmem>> -> memref<1x1x128xi32, #tpu.memory_space<vmem>>
      %dma_wait3A_508 = tpu.memref_squeeze %dma_wait3A_507 : memref<1x1x128xi32, #tpu.memory_space<vmem>> -> memref<128xi32, #tpu.memory_space<vmem>>
      %dma_wait3A_509 = arith.constant 0 : i32
      %dma_wait3A_510 = arith.constant 0 : i32
      %dma_wait3A_511 = tpu.memref_slice %arg5[%dma_wait3A_509, %dma_wait3A_510] : memref<1000x128xf32, #tpu.memory_space<vmem_shared>> -> memref<1000x128xf32, #tpu.memory_space<vmem_shared>>
      tpu.wait_indirect_dma semaphore(%arg10 : memref<!tpu.dma_semaphore, #tpu.memory_space<semaphore_mem>>) src(%dma_wait3A_511 : memref<1000x128xf32, #tpu.memory_space<vmem_shared>>) dst(%dma_wait3A_505 : memref<128x128xf32, #tpu.memory_space<vmem>>)
      %sub3A_512 = arith.constant 2 : i32
      %sub3A_513 = arith.subi %add3A_463, %sub3A_512 : i32
      %mul3A_514 = arith.constant 128 : i32
      %mul3A_515 = arith.muli %sub3A_513, %mul3A_514 : i32
      %add3A_516 = arith.addi %mul3A_4, %mul3A_515 : i32
      %dma_start3A_517 = arith.constant 0 : i32
      %dma_start3A_518 = arith.constant 0 : i32
      %dma_start3A_519 = arith.constant 0 : i32
      %dma_start3A_520 = tpu.memref_slice %arg7[%dma_start3A_517, %dma_start3A_518, %dma_start3A_519] : memref<4x128x128xf32, #tpu.memory_space<vmem>> -> memref<1x128x128xf32, #tpu.memory_space<vmem>>
      %dma_start3A_521 = tpu.memref_squeeze %dma_start3A_520 : memref<1x128x128xf32, #tpu.memory_space<vmem>> -> memref<128x128xf32, #tpu.memory_space<vmem>>
      %dma_start3A_522 = arith.constant 0 : i32
      %dma_start3A_523 = tpu.memref_slice %arg4[%add3A_516, %dma_start3A_522] : memref<3276800x128xf32, #tpu.memory_space<hbm>> -> memref<128x128xf32, #tpu.memory_space<hbm>>
      %dma_start3A_524 = arith.constant 0 : i32
      %dma_start3A_525 = tpu.memref_slice %arg4[%add3A_516, %dma_start3A_524] : memref<3276800x128xf32, #tpu.memory_space<hbm>> -> memref<128x128xf32, #tpu.memory_space<hbm>>
      %dma_start3A_526 = arith.constant 0 : i32
      %dma_start3A_527 = arith.constant 0 : i32
      %dma_start3A_528 = tpu.memref_slice %arg7[%dma_start3A_517, %dma_start3A_526, %dma_start3A_527] : memref<4x128x128xf32, #tpu.memory_space<vmem>> -> memref<1x128x128xf32, #tpu.memory_space<vmem>>
      %dma_start3A_529 = tpu.memref_squeeze %dma_start3A_528 : memref<1x128x128xf32, #tpu.memory_space<vmem>> -> memref<128x128xf32, #tpu.memory_space<vmem>>
      tpu.enqueue_dma source(%dma_start3A_529 : memref<128x128xf32, #tpu.memory_space<vmem>>) target(%dma_start3A_525 : memref<128x128xf32, #tpu.memory_space<hbm>>) target_semaphore(%arg14 : memref<!tpu.dma_semaphore, #tpu.memory_space<semaphore_mem>>)
      %mul3A_530 = arith.constant 4 : i32
      %mul3A_531 = arith.muli %add3A_312, %mul3A_530 : i32
      %add3A_532 = arith.constant 3 : i32
      %add3A_533 = arith.addi %mul3A_531, %add3A_532 : i32
      %sub3A_534 = arith.constant 4 : i32
      %sub3A_535 = arith.subi %add3A_533, %sub3A_534 : i32
      %mul3A_536 = arith.constant 128 : i32
      %mul3A_537 = arith.muli %sub3A_535, %mul3A_536 : i32
      %add3A_538 = arith.addi %mul3A_4, %mul3A_537 : i32
      %dma_wait3A_539 = arith.constant 3 : i32
      %dma_wait3A_540 = arith.constant 0 : i32
      %dma_wait3A_541 = arith.constant 0 : i32
      %dma_wait3A_542 = tpu.memref_slice %arg7[%dma_wait3A_539, %dma_wait3A_540, %dma_wait3A_541] : memref<4x128x128xf32, #tpu.memory_space<vmem>> -> memref<1x128x128xf32, #tpu.memory_space<vmem>>
      %dma_wait3A_543 = tpu.memref_squeeze %dma_wait3A_542 : memref<1x128x128xf32, #tpu.memory_space<vmem>> -> memref<128x128xf32, #tpu.memory_space<vmem>>
      %dma_wait3A_544 = arith.constant 0 : i32
      %dma_wait3A_545 = tpu.memref_slice %arg4[%add3A_538, %dma_wait3A_544] : memref<3276800x128xf32, #tpu.memory_space<hbm>> -> memref<128x128xf32, #tpu.memory_space<hbm>>
      %dma_wait3A_546 = arith.constant 0 : i32
      %dma_wait3A_547 = tpu.memref_slice %arg4[%add3A_538, %dma_wait3A_546] : memref<3276800x128xf32, #tpu.memory_space<hbm>> -> memref<128x128xf32, #tpu.memory_space<hbm>>
      %dma_wait3A_548 = arith.constant 0 : i32
      %dma_wait3A_549 = arith.constant 0 : i32
      %dma_wait3A_550 = tpu.memref_slice %arg7[%dma_wait3A_539, %dma_wait3A_548, %dma_wait3A_549] : memref<4x128x128xf32, #tpu.memory_space<vmem>> -> memref<1x128x128xf32, #tpu.memory_space<vmem>>
      %dma_wait3A_551 = tpu.memref_squeeze %dma_wait3A_550 : memref<1x128x128xf32, #tpu.memory_space<vmem>> -> memref<128x128xf32, #tpu.memory_space<vmem>>
      tpu.wait_dma2 semaphore(%arg17 : memref<!tpu.dma_semaphore, #tpu.memory_space<semaphore_mem>>) src(%dma_wait3A_551 : memref<128x128xf32, #tpu.memory_space<vmem>>) dst(%dma_wait3A_547 : memref<128x128xf32, #tpu.memory_space<hbm>>)
      %dma_start3A_552 = arith.constant 1 : i32
      %dma_start3A_553 = arith.constant 3 : i32
      %dma_start3A_554 = arith.constant 3 : i32
      %dma_start3A_555 = arith.constant 0 : i32
      %dma_start3A_556 = arith.constant 0 : i32
      %dma_start3A_557 = tpu.memref_slice %arg7[%dma_start3A_554, %dma_start3A_555, %dma_start3A_556] : memref<4x128x128xf32, #tpu.memory_space<vmem>> -> memref<1x128x128xf32, #tpu.memory_space<vmem>>
      %dma_start3A_558 = tpu.memref_squeeze %dma_start3A_557 : memref<1x128x128xf32, #tpu.memory_space<vmem>> -> memref<128x128xf32, #tpu.memory_space<vmem>>
      %dma_start3A_559 = arith.constant 0 : i32
      %dma_start3A_560 = tpu.memref_slice %arg6[%dma_start3A_552, %dma_start3A_553, %dma_start3A_559] : memref<2x4x128xi32, #tpu.memory_space<vmem>> -> memref<1x1x128xi32, #tpu.memory_space<vmem>>
      %dma_start3A_561 = tpu.memref_squeeze %dma_start3A_560 : memref<1x1x128xi32, #tpu.memory_space<vmem>> -> memref<128xi32, #tpu.memory_space<vmem>>
      %dma_start3A_562 = arith.constant 0 : i32
      %dma_start3A_563 = arith.constant 0 : i32
      %dma_start3A_564 = tpu.memref_slice %arg5[%dma_start3A_562, %dma_start3A_563] : memref<1000x128xf32, #tpu.memory_space<vmem_shared>> -> memref<1000x128xf32, #tpu.memory_space<vmem_shared>>
      tpu.enqueue_indirect_dma source(%dma_start3A_564 : memref<1000x128xf32, #tpu.memory_space<vmem_shared>>) target(%dma_start3A_558 : memref<128x128xf32, #tpu.memory_space<vmem>>) offsets(%dma_start3A_561 : memref<128xi32, #tpu.memory_space<vmem>>) semaphore(%arg13 : memref<!tpu.dma_semaphore, #tpu.memory_space<semaphore_mem>>)
      %dma_wait3A_565 = arith.constant 0 : i32
      %dma_wait3A_566 = arith.constant 0 : i32
      %dma_wait3A_567 = arith.constant 1 : i32
      %dma_wait3A_568 = arith.constant 0 : i32
      %dma_wait3A_569 = arith.constant 0 : i32
      %dma_wait3A_570 = tpu.memref_slice %arg7[%dma_wait3A_567, %dma_wait3A_568, %dma_wait3A_569] : memref<4x128x128xf32, #tpu.memory_space<vmem>> -> memref<1x128x128xf32, #tpu.memory_space<vmem>>
      %dma_wait3A_571 = tpu.memref_squeeze %dma_wait3A_570 : memref<1x128x128xf32, #tpu.memory_space<vmem>> -> memref<128x128xf32, #tpu.memory_space<vmem>>
      %dma_wait3A_572 = arith.constant 0 : i32
      %dma_wait3A_573 = tpu.memref_slice %arg6[%dma_wait3A_565, %dma_wait3A_566, %dma_wait3A_572] : memref<2x4x128xi32, #tpu.memory_space<vmem>> -> memref<1x1x128xi32, #tpu.memory_space<vmem>>
      %dma_wait3A_574 = tpu.memref_squeeze %dma_wait3A_573 : memref<1x1x128xi32, #tpu.memory_space<vmem>> -> memref<128xi32, #tpu.memory_space<vmem>>
      %dma_wait3A_575 = arith.constant 0 : i32
      %dma_wait3A_576 = arith.constant 0 : i32
      %dma_wait3A_577 = tpu.memref_slice %arg5[%dma_wait3A_575, %dma_wait3A_576] : memref<1000x128xf32, #tpu.memory_space<vmem_shared>> -> memref<1000x128xf32, #tpu.memory_space<vmem_shared>>
      tpu.wait_indirect_dma semaphore(%arg11 : memref<!tpu.dma_semaphore, #tpu.memory_space<semaphore_mem>>) src(%dma_wait3A_577 : memref<1000x128xf32, #tpu.memory_space<vmem_shared>>) dst(%dma_wait3A_571 : memref<128x128xf32, #tpu.memory_space<vmem>>)
      %sub3A_578 = arith.constant 2 : i32
      %sub3A_579 = arith.subi %add3A_533, %sub3A_578 : i32
      %mul3A_580 = arith.constant 128 : i32
      %mul3A_581 = arith.muli %sub3A_579, %mul3A_580 : i32
      %add3A_582 = arith.addi %mul3A_4, %mul3A_581 : i32
      %dma_start3A_583 = arith.constant 1 : i32
      %dma_start3A_584 = arith.constant 0 : i32
      %dma_start3A_585 = arith.constant 0 : i32
      %dma_start3A_586 = tpu.memref_slice %arg7[%dma_start3A_583, %dma_start3A_584, %dma_start3A_585] : memref<4x128x128xf32, #tpu.memory_space<vmem>> -> memref<1x128x128xf32, #tpu.memory_space<vmem>>
      %dma_start3A_587 = tpu.memref_squeeze %dma_start3A_586 : memref<1x128x128xf32, #tpu.memory_space<vmem>> -> memref<128x128xf32, #tpu.memory_space<vmem>>
      %dma_start3A_588 = arith.constant 0 : i32
      %dma_start3A_589 = tpu.memref_slice %arg4[%add3A_582, %dma_start3A_588] : memref<3276800x128xf32, #tpu.memory_space<hbm>> -> memref<128x128xf32, #tpu.memory_space<hbm>>
      %dma_start3A_590 = arith.constant 0 : i32
      %dma_start3A_591 = tpu.memref_slice %arg4[%add3A_582, %dma_start3A_590] : memref<3276800x128xf32, #tpu.memory_space<hbm>> -> memref<128x128xf32, #tpu.memory_space<hbm>>
      %dma_start3A_592 = arith.constant 0 : i32
      %dma_start3A_593 = arith.constant 0 : i32
      %dma_start3A_594 = tpu.memref_slice %arg7[%dma_start3A_583, %dma_start3A_592, %dma_start3A_593] : memref<4x128x128xf32, #tpu.memory_space<vmem>> -> memref<1x128x128xf32, #tpu.memory_space<vmem>>
      %dma_start3A_595 = tpu.memref_squeeze %dma_start3A_594 : memref<1x128x128xf32, #tpu.memory_space<vmem>> -> memref<128x128xf32, #tpu.memory_space<vmem>>
      tpu.enqueue_dma source(%dma_start3A_595 : memref<128x128xf32, #tpu.memory_space<vmem>>) target(%dma_start3A_591 : memref<128x128xf32, #tpu.memory_space<hbm>>) target_semaphore(%arg15 : memref<!tpu.dma_semaphore, #tpu.memory_space<semaphore_mem>>)
    }
    %scan3A_10 = arith.constant 100 : i32
    %dma_wait3A = arith.constant 0 : i32
    %dma_wait3A_11 = arith.constant 0 : i32
    %dma_wait3A_12 = arith.constant 2 : i32
    %dma_wait3A_13 = arith.constant 0 : i32
    %dma_wait3A_14 = arith.constant 0 : i32
    %dma_wait3A_15 = tpu.memref_slice %arg7[%dma_wait3A_12, %dma_wait3A_13, %dma_wait3A_14] : memref<4x128x128xf32, #tpu.memory_space<vmem>> -> memref<1x128x128xf32, #tpu.memory_space<vmem>>
    %dma_wait3A_16 = tpu.memref_squeeze %dma_wait3A_15 : memref<1x128x128xf32, #tpu.memory_space<vmem>> -> memref<128x128xf32, #tpu.memory_space<vmem>>
    %dma_wait3A_17 = arith.constant 0 : i32
    %dma_wait3A_18 = tpu.memref_slice %arg6[%dma_wait3A, %dma_wait3A_11, %dma_wait3A_17] : memref<2x4x128xi32, #tpu.memory_space<vmem>> -> memref<1x1x128xi32, #tpu.memory_space<vmem>>
    %dma_wait3A_19 = tpu.memref_squeeze %dma_wait3A_18 : memref<1x1x128xi32, #tpu.memory_space<vmem>> -> memref<128xi32, #tpu.memory_space<vmem>>
    %dma_wait3A_20 = arith.constant 0 : i32
    %dma_wait3A_21 = arith.constant 0 : i32
    %dma_wait3A_22 = tpu.memref_slice %arg5[%dma_wait3A_20, %dma_wait3A_21] : memref<1000x128xf32, #tpu.memory_space<vmem_shared>> -> memref<1000x128xf32, #tpu.memory_space<vmem_shared>>
    tpu.wait_indirect_dma semaphore(%arg12 : memref<!tpu.dma_semaphore, #tpu.memory_space<semaphore_mem>>) src(%dma_wait3A_22 : memref<1000x128xf32, #tpu.memory_space<vmem_shared>>) dst(%dma_wait3A_16 : memref<128x128xf32, #tpu.memory_space<vmem>>)
    %add3A_23 = arith.constant 102144 : i32
    %add3A_24 = arith.addi %mul3A_4, %add3A_23 : i32
    %dma_start3A = arith.constant 2 : i32
    %dma_start3A_25 = arith.constant 0 : i32
    %dma_start3A_26 = arith.constant 0 : i32
    %dma_start3A_27 = tpu.memref_slice %arg7[%dma_start3A, %dma_start3A_25, %dma_start3A_26] : memref<4x128x128xf32, #tpu.memory_space<vmem>> -> memref<1x128x128xf32, #tpu.memory_space<vmem>>
    %dma_start3A_28 = tpu.memref_squeeze %dma_start3A_27 : memref<1x128x128xf32, #tpu.memory_space<vmem>> -> memref<128x128xf32, #tpu.memory_space<vmem>>
    %dma_start3A_29 = arith.constant 0 : i32
    %dma_start3A_30 = tpu.memref_slice %arg4[%add3A_24, %dma_start3A_29] : memref<3276800x128xf32, #tpu.memory_space<hbm>> -> memref<128x128xf32, #tpu.memory_space<hbm>>
    %dma_start3A_31 = arith.constant 0 : i32
    %dma_start3A_32 = tpu.memref_slice %arg4[%add3A_24, %dma_start3A_31] : memref<3276800x128xf32, #tpu.memory_space<hbm>> -> memref<128x128xf32, #tpu.memory_space<hbm>>
    %dma_start3A_33 = arith.constant 0 : i32
    %dma_start3A_34 = arith.constant 0 : i32
    %dma_start3A_35 = tpu.memref_slice %arg7[%dma_start3A, %dma_start3A_33, %dma_start3A_34] : memref<4x128x128xf32, #tpu.memory_space<vmem>> -> memref<1x128x128xf32, #tpu.memory_space<vmem>>
    %dma_start3A_36 = tpu.memref_squeeze %dma_start3A_35 : memref<1x128x128xf32, #tpu.memory_space<vmem>> -> memref<128x128xf32, #tpu.memory_space<vmem>>
    tpu.enqueue_dma source(%dma_start3A_36 : memref<128x128xf32, #tpu.memory_space<vmem>>) target(%dma_start3A_32 : memref<128x128xf32, #tpu.memory_space<hbm>>) target_semaphore(%arg16 : memref<!tpu.dma_semaphore, #tpu.memory_space<semaphore_mem>>)
    %dma_wait3A_37 = arith.constant 0 : i32
    %dma_wait3A_38 = arith.constant 0 : i32
    %dma_wait3A_39 = arith.constant 3 : i32
    %dma_wait3A_40 = arith.constant 0 : i32
    %dma_wait3A_41 = arith.constant 0 : i32
    %dma_wait3A_42 = tpu.memref_slice %arg7[%dma_wait3A_39, %dma_wait3A_40, %dma_wait3A_41] : memref<4x128x128xf32, #tpu.memory_space<vmem>> -> memref<1x128x128xf32, #tpu.memory_space<vmem>>
    %dma_wait3A_43 = tpu.memref_squeeze %dma_wait3A_42 : memref<1x128x128xf32, #tpu.memory_space<vmem>> -> memref<128x128xf32, #tpu.memory_space<vmem>>
    %dma_wait3A_44 = arith.constant 0 : i32
    %dma_wait3A_45 = tpu.memref_slice %arg6[%dma_wait3A_37, %dma_wait3A_38, %dma_wait3A_44] : memref<2x4x128xi32, #tpu.memory_space<vmem>> -> memref<1x1x128xi32, #tpu.memory_space<vmem>>
    %dma_wait3A_46 = tpu.memref_squeeze %dma_wait3A_45 : memref<1x1x128xi32, #tpu.memory_space<vmem>> -> memref<128xi32, #tpu.memory_space<vmem>>
    %dma_wait3A_47 = arith.constant 0 : i32
    %dma_wait3A_48 = arith.constant 0 : i32
    %dma_wait3A_49 = tpu.memref_slice %arg5[%dma_wait3A_47, %dma_wait3A_48] : memref<1000x128xf32, #tpu.memory_space<vmem_shared>> -> memref<1000x128xf32, #tpu.memory_space<vmem_shared>>
    tpu.wait_indirect_dma semaphore(%arg13 : memref<!tpu.dma_semaphore, #tpu.memory_space<semaphore_mem>>) src(%dma_wait3A_49 : memref<1000x128xf32, #tpu.memory_space<vmem_shared>>) dst(%dma_wait3A_43 : memref<128x128xf32, #tpu.memory_space<vmem>>)
    %add3A_50 = arith.constant 102272 : i32
    %add3A_51 = arith.addi %mul3A_4, %add3A_50 : i32
    %dma_start3A_52 = arith.constant 3 : i32
    %dma_start3A_53 = arith.constant 0 : i32
    %dma_start3A_54 = arith.constant 0 : i32
    %dma_start3A_55 = tpu.memref_slice %arg7[%dma_start3A_52, %dma_start3A_53, %dma_start3A_54] : memref<4x128x128xf32, #tpu.memory_space<vmem>> -> memref<1x128x128xf32, #tpu.memory_space<vmem>>
    %dma_start3A_56 = tpu.memref_squeeze %dma_start3A_55 : memref<1x128x128xf32, #tpu.memory_space<vmem>> -> memref<128x128xf32, #tpu.memory_space<vmem>>
    %dma_start3A_57 = arith.constant 0 : i32
    %dma_start3A_58 = tpu.memref_slice %arg4[%add3A_51, %dma_start3A_57] : memref<3276800x128xf32, #tpu.memory_space<hbm>> -> memref<128x128xf32, #tpu.memory_space<hbm>>
    %dma_start3A_59 = arith.constant 0 : i32
    %dma_start3A_60 = tpu.memref_slice %arg4[%add3A_51, %dma_start3A_59] : memref<3276800x128xf32, #tpu.memory_space<hbm>> -> memref<128x128xf32, #tpu.memory_space<hbm>>
    %dma_start3A_61 = arith.constant 0 : i32
    %dma_start3A_62 = arith.constant 0 : i32
    %dma_start3A_63 = tpu.memref_slice %arg7[%dma_start3A_52, %dma_start3A_61, %dma_start3A_62] : memref<4x128x128xf32, #tpu.memory_space<vmem>> -> memref<1x128x128xf32, #tpu.memory_space<vmem>>
    %dma_start3A_64 = tpu.memref_squeeze %dma_start3A_63 : memref<1x128x128xf32, #tpu.memory_space<vmem>> -> memref<128x128xf32, #tpu.memory_space<vmem>>
    tpu.enqueue_dma source(%dma_start3A_64 : memref<128x128xf32, #tpu.memory_space<vmem>>) target(%dma_start3A_60 : memref<128x128xf32, #tpu.memory_space<hbm>>) target_semaphore(%arg17 : memref<!tpu.dma_semaphore, #tpu.memory_space<semaphore_mem>>)
    %add3A_65 = arith.constant 101888 : i32
    %add3A_66 = arith.addi %mul3A_4, %add3A_65 : i32
    %dma_wait3A_67 = arith.constant 0 : i32
    %dma_wait3A_68 = arith.constant 0 : i32
    %dma_wait3A_69 = arith.constant 0 : i32
    %dma_wait3A_70 = tpu.memref_slice %arg7[%dma_wait3A_67, %dma_wait3A_68, %dma_wait3A_69] : memref<4x128x128xf32, #tpu.memory_space<vmem>> -> memref<1x128x128xf32, #tpu.memory_space<vmem>>
    %dma_wait3A_71 = tpu.memref_squeeze %dma_wait3A_70 : memref<1x128x128xf32, #tpu.memory_space<vmem>> -> memref<128x128xf32, #tpu.memory_space<vmem>>
    %dma_wait3A_72 = arith.constant 0 : i32
    %dma_wait3A_73 = tpu.memref_slice %arg4[%add3A_66, %dma_wait3A_72] : memref<3276800x128xf32, #tpu.memory_space<hbm>> -> memref<128x128xf32, #tpu.memory_space<hbm>>
    %dma_wait3A_74 = arith.constant 0 : i32
    %dma_wait3A_75 = tpu.memref_slice %arg4[%add3A_66, %dma_wait3A_74] : memref<3276800x128xf32, #tpu.memory_space<hbm>> -> memref<128x128xf32, #tpu.memory_space<hbm>>
    %dma_wait3A_76 = arith.constant 0 : i32
    %dma_wait3A_77 = arith.constant 0 : i32
    %dma_wait3A_78 = tpu.memref_slice %arg7[%dma_wait3A_67, %dma_wait3A_76, %dma_wait3A_77] : memref<4x128x128xf32, #tpu.memory_space<vmem>> -> memref<1x128x128xf32, #tpu.memory_space<vmem>>
    %dma_wait3A_79 = tpu.memref_squeeze %dma_wait3A_78 : memref<1x128x128xf32, #tpu.memory_space<vmem>> -> memref<128x128xf32, #tpu.memory_space<vmem>>
    tpu.wait_dma2 semaphore(%arg14 : memref<!tpu.dma_semaphore, #tpu.memory_space<semaphore_mem>>) src(%dma_wait3A_79 : memref<128x128xf32, #tpu.memory_space<vmem>>) dst(%dma_wait3A_75 : memref<128x128xf32, #tpu.memory_space<hbm>>)
    %add3A_80 = arith.constant 102016 : i32
    %add3A_81 = arith.addi %mul3A_4, %add3A_80 : i32
    %dma_wait3A_82 = arith.constant 1 : i32
    %dma_wait3A_83 = arith.constant 0 : i32
    %dma_wait3A_84 = arith.constant 0 : i32
    %dma_wait3A_85 = tpu.memref_slice %arg7[%dma_wait3A_82, %dma_wait3A_83, %dma_wait3A_84] : memref<4x128x128xf32, #tpu.memory_space<vmem>> -> memref<1x128x128xf32, #tpu.memory_space<vmem>>
    %dma_wait3A_86 = tpu.memref_squeeze %dma_wait3A_85 : memref<1x128x128xf32, #tpu.memory_space<vmem>> -> memref<128x128xf32, #tpu.memory_space<vmem>>
    %dma_wait3A_87 = arith.constant 0 : i32
    %dma_wait3A_88 = tpu.memref_slice %arg4[%add3A_81, %dma_wait3A_87] : memref<3276800x128xf32, #tpu.memory_space<hbm>> -> memref<128x128xf32, #tpu.memory_space<hbm>>
    %dma_wait3A_89 = arith.constant 0 : i32
    %dma_wait3A_90 = tpu.memref_slice %arg4[%add3A_81, %dma_wait3A_89] : memref<3276800x128xf32, #tpu.memory_space<hbm>> -> memref<128x128xf32, #tpu.memory_space<hbm>>
    %dma_wait3A_91 = arith.constant 0 : i32
    %dma_wait3A_92 = arith.constant 0 : i32
    %dma_wait3A_93 = tpu.memref_slice %arg7[%dma_wait3A_82, %dma_wait3A_91, %dma_wait3A_92] : memref<4x128x128xf32, #tpu.memory_space<vmem>> -> memref<1x128x128xf32, #tpu.memory_space<vmem>>
    %dma_wait3A_94 = tpu.memref_squeeze %dma_wait3A_93 : memref<1x128x128xf32, #tpu.memory_space<vmem>> -> memref<128x128xf32, #tpu.memory_space<vmem>>
    tpu.wait_dma2 semaphore(%arg15 : memref<!tpu.dma_semaphore, #tpu.memory_space<semaphore_mem>>) src(%dma_wait3A_94 : memref<128x128xf32, #tpu.memory_space<vmem>>) dst(%dma_wait3A_90 : memref<128x128xf32, #tpu.memory_space<hbm>>)
    %add3A_95 = arith.constant 102144 : i32
    %add3A_96 = arith.addi %mul3A_4, %add3A_95 : i32
    %dma_wait3A_97 = arith.constant 2 : i32
    %dma_wait3A_98 = arith.constant 0 : i32
    %dma_wait3A_99 = arith.constant 0 : i32
    %dma_wait3A_100 = tpu.memref_slice %arg7[%dma_wait3A_97, %dma_wait3A_98, %dma_wait3A_99] : memref<4x128x128xf32, #tpu.memory_space<vmem>> -> memref<1x128x128xf32, #tpu.memory_space<vmem>>
    %dma_wait3A_101 = tpu.memref_squeeze %dma_wait3A_100 : memref<1x128x128xf32, #tpu.memory_space<vmem>> -> memref<128x128xf32, #tpu.memory_space<vmem>>
    %dma_wait3A_102 = arith.constant 0 : i32
    %dma_wait3A_103 = tpu.memref_slice %arg4[%add3A_96, %dma_wait3A_102] : memref<3276800x128xf32, #tpu.memory_space<hbm>> -> memref<128x128xf32, #tpu.memory_space<hbm>>
    %dma_wait3A_104 = arith.constant 0 : i32
    %dma_wait3A_105 = tpu.memref_slice %arg4[%add3A_96, %dma_wait3A_104] : memref<3276800x128xf32, #tpu.memory_space<hbm>> -> memref<128x128xf32, #tpu.memory_space<hbm>>
    %dma_wait3A_106 = arith.constant 0 : i32
    %dma_wait3A_107 = arith.constant 0 : i32
    %dma_wait3A_108 = tpu.memref_slice %arg7[%dma_wait3A_97, %dma_wait3A_106, %dma_wait3A_107] : memref<4x128x128xf32, #tpu.memory_space<vmem>> -> memref<1x128x128xf32, #tpu.memory_space<vmem>>
    %dma_wait3A_109 = tpu.memref_squeeze %dma_wait3A_108 : memref<1x128x128xf32, #tpu.memory_space<vmem>> -> memref<128x128xf32, #tpu.memory_space<vmem>>
    tpu.wait_dma2 semaphore(%arg16 : memref<!tpu.dma_semaphore, #tpu.memory_space<semaphore_mem>>) src(%dma_wait3A_109 : memref<128x128xf32, #tpu.memory_space<vmem>>) dst(%dma_wait3A_105 : memref<128x128xf32, #tpu.memory_space<hbm>>)
    %add3A_110 = arith.constant 102272 : i32
    %add3A_111 = arith.addi %mul3A_4, %add3A_110 : i32
    %dma_wait3A_112 = arith.constant 3 : i32
    %dma_wait3A_113 = arith.constant 0 : i32
    %dma_wait3A_114 = arith.constant 0 : i32
    %dma_wait3A_115 = tpu.memref_slice %arg7[%dma_wait3A_112, %dma_wait3A_113, %dma_wait3A_114] : memref<4x128x128xf32, #tpu.memory_space<vmem>> -> memref<1x128x128xf32, #tpu.memory_space<vmem>>
    %dma_wait3A_116 = tpu.memref_squeeze %dma_wait3A_115 : memref<1x128x128xf32, #tpu.memory_space<vmem>> -> memref<128x128xf32, #tpu.memory_space<vmem>>
    %dma_wait3A_117 = arith.constant 0 : i32
    %dma_wait3A_118 = tpu.memref_slice %arg4[%add3A_111, %dma_wait3A_117] : memref<3276800x128xf32, #tpu.memory_space<hbm>> -> memref<128x128xf32, #tpu.memory_space<hbm>>
    %dma_wait3A_119 = arith.constant 0 : i32
    %dma_wait3A_120 = tpu.memref_slice %arg4[%add3A_111, %dma_wait3A_119] : memref<3276800x128xf32, #tpu.memory_space<hbm>> -> memref<128x128xf32, #tpu.memory_space<hbm>>
    %dma_wait3A_121 = arith.constant 0 : i32
    %dma_wait3A_122 = arith.constant 0 : i32
    %dma_wait3A_123 = tpu.memref_slice %arg7[%dma_wait3A_112, %dma_wait3A_121, %dma_wait3A_122] : memref<4x128x128xf32, #tpu.memory_space<vmem>> -> memref<1x128x128xf32, #tpu.memory_space<vmem>>
    %dma_wait3A_124 = tpu.memref_squeeze %dma_wait3A_123 : memref<1x128x128xf32, #tpu.memory_space<vmem>> -> memref<128x128xf32, #tpu.memory_space<vmem>>
    tpu.wait_dma2 semaphore(%arg17 : memref<!tpu.dma_semaphore, #tpu.memory_space<semaphore_mem>>) src(%dma_wait3A_124 : memref<128x128xf32, #tpu.memory_space<vmem>>) dst(%dma_wait3A_120 : memref<128x128xf32, #tpu.memory_space<hbm>>)
    return
  }
}

</mosaic_0001>

<sc_bundles>
// kernel: kernel.3.cloned.1.call-start
scs
__scs_entry_jumppad:
0x0: {  	(pc) =	sbr.rel $0x88, $3  }
0x1: {  	(tag) =	ssettag $0x0;
	lr =	simm.s32 $0x1  }
0x2: {  	[smem:$0x3F9F] =	sst lr;
	_ =	strace $0xD0000000  }
0x3: {  	_ = 	snop  }
0x4: {  	_ = 	snop  }
0x5: {  	_ = 	snop  }
0x6: {  	_ = 	snop  }
0x7: {  	_ = 	snop  }
__scs_overlays_trampoline_lowered:
0x8: {  	[smem:$0x3FAE] =	sst s0  }
0x9: {  	[smem:$0x3FAF] =	sst s1  }
0xa: {  	[smem:$0x3FB0] =	sst s2  }
0xb: {  	[smem:$0x3FB1] =	sst s3  }
0xc: {  	[smem:$0x3FB2] =	sst s4  }
0xd: {  	[smem:$0x3FB3] =	sst s5  }
0xe: {  	[smem:$0x3FB4] =	sst s6  }
0xf: {  	[smem:$0x3FB5] =	sst s7  }
0x10: {  	[smem:$0x3FB6] =	sst s8  }
0x11: {  	[smem:$0x3FB7] =	sst s9;
	s0 =	simm.s32 @!p0 $0x0  }
0x12: {  	s1 =	sld [smem:$0x3F9D];
	s0 =	simm.s32 @p0 $0x1  }
0x13: {  	[smem:$0x3FB8] =	sst s0;
	s0 =	simm.s32 @!p1 $0x0  }
0x14: {  	s2 =	sld [smem:$0x3F9C];
	s0 =	simm.s32 @p1 $0x1  }
0x15: {  	[smem:$0x3FB9] =	sst s0;
	s0 =	simm.s32 @!p2 $0x0  }
0x16: {  	s3 =	sld [smem:$0x3FDB];
	s0 =	simm.s32 @p2 $0x1  }
0x17: {  	s4 =	simm.s32 $0x1BF5;
	[smem:$0x3FBB] =	sst s0  }
0x18: {  	s0 =	sld [smem:$0x3F9E];
	_ =	swait.ge [sflag:s4], $0x0  }
0x19: {  	s7 =	sld [smem:$0x3F9F]  }
0x1a: {  	s8 =	sadd.s32 $0xFFFFE003, lr  }
0x1b: {  	s9 =	sadd.s32 $0xFFFFFEF7, lr;
	s5 =	simm.s32 $0xFFFFFFFF;
	p2 =	slt.u32 s8, $0xFFFFF086  }
0x1c: {  	p1 =	slt.u32 s9, $0xF7A;
	s5 =	simm.s32 @!p2 $0x0  }
0x1d: {  	s5 =	simm.s32 @p1 $0x1;
	p0 =	seq.s32 s7, s2  }
0x1e: {  	s7 =	smul.u32 @!p0 $0xF7A, s2;
	p2 =	seq.s32 @!p0 s5, $0x0  }
0x1f: {  	s9 =	smul.u32 $0xF7A, s1;
	s8 =	simm.s32 @!p0 $0x1BF5;
	p2 =	por !p2, p0  }
0x20: {  	[sflag:s8] =	ssyncset.s32 @!p0 $0xFFFFF086;
	s6 =	sadd.s32 @!p0 s3, s7;
	s7 =	simm.s32 @!p0 $0x108  }
0x21: {  	s3 =	sadd.s32 s3, s9;
	s6 =	sadd.s32 @!p0 $0x88, s6;
	s7 =	simm.s32 @p2 $0x1082  }
0x22: {  	[simem:s7], [sflag:s8] =	dma.local @!p0 [hbm:s6], $0xF7A  }
0x23: {  	s9 =	sor.u32 $0xD0000000, s2;
	s6 =	simm.s32 $0x108;
	_ =	swait.ge @!p0 [sflag:s8], $0x0  }
0x24: {  	s3 =	sadd.s32 $0x88, s3;
	s6 =	simm.s32 @!p1 $0x1082;
	[sflag:s4] =	ssyncset.s32 $0xFFFFF086  }
0x25: {  	[simem:s6], [sflag:s4] =	dma.local [hbm:s3], $0xF7A  }
0x26: {  	[smem:$0x3F9F] =	sst s1;
	(tag) =	ssettag s2;
	_ =	strace s9  }
0x27: {  	s1 =	sld [smem:$0x3FAF]  }
0x28: {  	s2 =	sld [smem:$0x3FB0]  }
0x29: {  	s4 =	sld [smem:$0x3FB2]  }
0x2a: {  	p0 =	seq.s32 s5, $0x0;
	s5 =	sld [smem:$0x3FB3]  }
0x2b: {  	s6 =	sld [smem:$0x3FB4]  }
0x2c: {  	s7 =	sld [smem:$0x3FB5]  }
0x2d: {  	s3 =	simm.s32 $0x108;
	s8 =	sld [smem:$0x3FB6]  }
0x2e: {  	s3 =	simm.s32 @!p0 $0x1082;
	s9 =	sld [smem:$0x3FB7]  }
0x2f: {  	lr =	sadd.s32 s0, s3;
	s0 =	sld [smem:$0x3FAE]  }
0x30: {  	s3 =	sld [smem:$0x3FB1]  }
0x31: {  	[smem:$0x3FBA] =	sst s10  }
0x32: {  	s10 =	sld [smem:$0x3FB8];
	_ =	sdelay $0x3  }
0x33: {  	p0 =	seq.s32 s10, $0x1;
	s10 =	sld [smem:$0x3FBA];
	_ =	sdelay $0x3  }
0x34: {  	[smem:$0x3FBA] =	sst s10  }
0x35: {  	s10 =	sld [smem:$0x3FB9];
	_ =	sdelay $0x3  }
0x36: {  	p1 =	seq.s32 s10, $0x1;
	s10 =	sld [smem:$0x3FBA];
	_ =	sdelay $0x3  }
0x37: {  	[smem:$0x3FBA] =	sst s10  }
0x38: {  	s10 =	sld [smem:$0x3FBB]  }
0x39: {  	_ = 	snop;
	(pc) =	sbr.ind lr, $3  }
0x3a: {  	_ = 	snop  }
0x3b: {  	_ = 	snop  }
0x3c: {  	p2 =	seq.s32 s10, $0x1;
	s10 =	sld [smem:$0x3FBA]  }
0x3d: {  	_ =	shalt  }
0x3e: {  	_ =	shalt  }
0x3f: {  	_ =	shalt  }
0x40: {  	_ =	shalt  }
0x41: {  	_ =	shalt  }
0x42: {  	_ =	shalt  }
0x43: {  	_ =	shalt  }
0x44: {  	_ =	shalt  }
0x45: {  	_ =	shalt  }
0x46: {  	_ =	shalt  }
0x47: {  	_ =	shalt  }
0x48: {  	_ =	shalt  }
0x49: {  	_ =	shalt  }
0x4a: {  	_ =	shalt  }
0x4b: {  	_ =	shalt  }
0x4c: {  	_ =	shalt  }
0x4d: {  	_ =	shalt  }
0x4e: {  	_ =	shalt  }
0x4f: {  	_ =	shalt  }
0x50: {  	_ =	shalt  }
0x51: {  	_ =	shalt  }
0x52: {  	_ =	shalt  }
0x53: {  	_ =	shalt  }
0x54: {  	_ =	shalt  }
0x55: {  	_ =	shalt  }
0x56: {  	_ =	shalt  }
0x57: {  	_ =	shalt  }
0x58: {  	_ =	shalt  }
0x59: {  	_ =	shalt  }
0x5a: {  	_ =	shalt  }
0x5b: {  	_ =	shalt  }
0x5c: {  	_ =	shalt  }
0x5d: {  	_ =	shalt  }
0x5e: {  	_ =	shalt  }
0x5f: {  	_ =	shalt  }
0x60: {  	_ =	shalt  }
0x61: {  	_ =	shalt  }
0x62: {  	_ =	shalt  }
0x63: {  	_ =	shalt  }
0x64: {  	_ =	shalt  }
0x65: {  	_ =	shalt  }
0x66: {  	_ =	shalt  }
0x67: {  	_ =	shalt  }
0x68: {  	_ =	shalt  }
0x69: {  	_ =	shalt  }
0x6a: {  	_ =	shalt  }
0x6b: {  	_ =	shalt  }
0x6c: {  	_ =	shalt  }
0x6d: {  	_ =	shalt  }
0x6e: {  	_ =	shalt  }
0x6f: {  	_ =	shalt  }
0x70: {  	_ =	shalt  }
0x71: {  	_ =	shalt  }
0x72: {  	_ =	shalt  }
0x73: {  	_ =	shalt  }
0x74: {  	_ =	shalt  }
0x75: {  	_ =	shalt  }
0x76: {  	_ =	shalt  }
0x77: {  	_ =	shalt  }
0x78: {  	_ =	shalt  }
0x79: {  	_ =	shalt  }
0x7a: {  	_ =	shalt  }
0x7b: {  	_ =	shalt  }
0x7c: {  	_ =	shalt  }
0x7d: {  	_ =	shalt  }
0x7e: {  	_ =	shalt  }
0x7f: {  	_ =	shalt  }
0x80: {  	_ =	shalt  }
0x81: {  	_ =	shalt  }
0x82: {  	_ =	shalt  }
0x83: {  	_ =	shalt  }
0x84: {  	_ =	shalt  }
0x85: {  	_ =	shalt  }
0x86: {  	_ =	shalt  }
0x87: {  	_ =	shalt  }
.Lfunc_end0:
.L_simem_size_0:
called_computation_lowered:
.L_overlay_start_0:
0x88: {  	s2 =	sld [smem:$0x3FD9]  }
0x89: {  	s3 =	sld [smem:$0x3FFE];
	_ =	sdelay $0x1  }
0x8a: {  	s1 =	srdreg.scid  }
0x8b: {  	s0 =	sand.u32 $0x1, s1  }
0x8c: {  	s17 =	sshll.u32 s0, $0xA;
	s2 =	sadd.s32 s3, s2  }
0x8d: {  	s2 =	sadd.s32 s2, s17  }
0x8e: {  	[smem:$0x3FC6] =	sst s2  }
0x8f: {  	_ = 	snop  }
0x90: {  	s2 =	sld [smem:$0x3FC8]  }
0x91: {  	s18 =	sld [smem:$0x3FD0];
	(tm) =	ssettm $0x1  }
0x92: {  	s4 =	sld [smem:$0x3FFB];
	_ =	sdelay $0x3  }
0x93: {  	_ =	strace s4  }
0x94: {  	s4 =	sld [smem:$0x3FFC];
	_ =	sdelay $0x3  }
0x95: {  	_ =	strace s4  }
0x96: {  	s4 =	sld [smem:$0x3FFD];
	_ =	sdelay $0x3  }
0x97: {  	_ =	strace s4  }
0x98: {  	_ =	strace $0x8FFFFFFF  }
0x99: {  	s19 =	sld [smem:$0x3FDB];
	_ =	sdelay $0x1  }
0x9a: {  	s5 =	simm.s32 $_scs_section_size  }
0x9b: {  	s6 =	simm.s32 $_size__tile_overlayer_lowered;
	s7 =	simm.s32 $_tile_overlayer_lowered  }
0x9c: {  	s22 =	simm.s32 $0x1BFF;
	s21 =	sshll.u32 s7, $0x1;
	s4 =	sadd.s32 s5, s19  }
0x9d: {  	s8 =	simm.s32 $0x0;
	s20 =	sshll.u32 s6, $0x1;
	s6 =	sadd.s32 s21, s4  }
0x9e: {  	[timem:s8], [sflag:s22] =	dma.local [hbm:s6], s20  }
0x9f: {  	_ =	swait.ge [sflag:s22], s20  }
0xa0: {  	s5 =	ssub.s32 $0x0, s20;
	[sflag:s22] =	ssyncset.done $0x0  }
0xa1: {  	[sflag:s22] =	ssyncadd.s32 s5;
	_ =	sdelay $0x1  }
0xa2: {  	s23 =	simm.s32 $0x1B8B  }
0xa3: {  	_ =	swait.ge [sflag:s23], $0x1  }
0xa4: {  	[sflag:s23] =	ssyncset.done $0x0  }
0xa5: {  	s25 =	simm.s32 $0x1B8E;
	s24 =	sld [smem:$0x3FFE];
	[sflag:s23] =	ssyncadd.s32 $0xFFFFFFFF  }
0xa6: {  	s26 =	simm.s32 $execute0_lowered;
	[smem:$0x3FD2] =	sst s25  }
0xa7: {  	s6 =	sshll.u32 s26, $0x1;
	_ =	strace $0x80000046;
	[dreg:$0x1] =	wrdreg $0xFFFFFFFF  }
0xa8: {  	s28 =	simm.s32 $_size_execute0_lowered;
	s4 =	sadd.s32 s4, s6;
	[dreg:$0x0] =	wrdreg $0x0  }
0xa9: {  	s6 =	sshll.u32 s28, $0x1;
	[dreg:$0x2] =	wrdreg s4  }
0xaa: {  	[dreg:$0x3] =	wrdreg s6  }
0xab: {  	[dreg:$0x4] =	wrdreg $0xC0  }
0xac: {  	_ =	task [dreg:s8], $0x5FFFF  }
0xad: {  	[dreg:$0x1] =	wrdreg $0xFFFFFFFF  }
0xae: {  	[dreg:$0x0] =	wrdreg $0x60  }
0xaf: {  	[dreg:$0x2] =	wrdreg s24  }
0xb0: {  	[dreg:$0x3] =	wrdreg s2  }
0xb1: {  	[dreg:$0x4] =	wrdreg s18  }
0xb2: {  	[dreg:$0x5] =	wrdreg $0x0  }
0xb3: {  	[dreg:$0x6] =	wrdreg $0x9  }
0xb4: {  	_ =	task.clear_ibuf [dreg:s8], $0x7FFFF;
	_ =	strace $0x90000046  }
0xb5: {  	s29 =	simm.s32 $0x9;
	_ =	strace $0x80000048  }
0xb6: {  	_ =	swait.ge [sflag:s29], $0x1  }
0xb7: {  	[sflag:s29] =	ssyncadd.s32 $0xFFFFFFFF  }
0xb8: {  	_ =	strace $0x90000048  }
0xb9: {  	_ =	sfence  }
0xba: {  	s30 =	sld [smem:$0x0];
	_ =	sdelay $0x2  }
0xbb: {  	s31 =	sshll.u32 s1, $0xD;
	s1 =	sshrl.u32 s1, $0x2  }
0xbc: {  	s3 =	sand.u32 $0x4000, s31;
	s1 =	sadd.s32 s1, s30  }
0xbd: {  	s0 =	sor.u32 s3, s0;
	s1 =	sshll.u32 s1, $0x11  }
0xbe: {  	s0 =	sor.u32 s1, s0  }
0xbf: {  	s0 =	sadd.s32 $0x8F2B, s0  }
0xc0: {  	[sflag:s0] =	ssyncadd.remote.s32 $0x1  }
0xc1: {  	_ =	sfence.sel $0xFFFF  }
0xc2: {  	[dreg:$0x0] =	wrdreg $0xFFFFFFFF;
	(pc) =	sbr.abs _section_cstart, $3  }
0xc3: {  	[dreg:$0x1] =	wrdreg $0xFFFFFFFF  }
0xc4: {  	_ =	task.clear_ibuf [dreg:s8], $0x2FFFF;
	_ =	strace $0x9FFFFFFF  }
0xc5: {  	(tm) =	ssettm $0x7FFFFFFF  }
tec
execute0_lowered:
.L_overlay_start_1:
0x0: {  	(tag) =	ssettag $0x1  }
0x1: {  	s0 =	rddreg [dreg:$0x0]  }
0x2: {  	s2 =	rddreg [dreg:$0x2]  }
0x3: {  	s3 =	rddreg [dreg:$0x3];
	s5 =	stileid.u32  }
0x4: {  	s1 =	srdreg.scid;
	s4 =	simm.s32 $0x0;
	s26 =	smul.u32 $0x6400, s5  }
0x5: {  	s22 =	simm.s32 $0x2040;
	s1 =	sand.u32 $0x1, s1;
	s11 =	smul.u32 $0x320000, s5  }
0x6: {  	s28 =	simm.s32 $0x6;
	s29 =	simm.s32 $0x9;
	s31 =	smul.u32 $0x3200, s1  }
0x7: {  	s6 =	sshll.u32 s5, $0x1;
	[smem:$0x7FF] =	sst s4;
	s16 =	smul.u32 $0xC80000, s1  }
0x8: {  	s6 =	sor.u32 s1, s6;
	s7 =	ssub.s32 $0x2, s1;
	s1 =	smul.u32 $0x190000, s1  }
0x9: {  	_ =	strace $0x80000047;
	s25 =	smul.u32 $0x19000, s6;
	s17 =	sadd.s32 s11, s2  }
0xa: {  	[dreg:$0xa] =	wrdreg s22;
	s14 =	smul.u32 $0xC80000, s6;
	s19 =	sadd.s32 s1, s17  }
0xb: {  	s0 =	sadd.s32 $0x400, s0;
	s9 =	smul.u32 $0x3200, s6;
	[dreg:$0x8] =	wrdreg s19  }
0xc: {  	s15 =	smul.u32 $0x1900000, s5;
	s23 =	sadd.s32 $0xFFFFFF00, s25;
	[dreg:$0x10] =	wrdreg s14  }
0xd: {  	s8 =	sshrl.u32 s7, $0x1;
	s9 =	sadd.s32 s0, s9;
	[dreg:$0x5] =	wrdreg s23  }
0xe: {  	s7 =	ssub.s32 s7, s8;
	s24 =	sadd.s32 $0xFFFFFF80, s25;
	[dreg:$0xf] =	wrdreg s9  }
0xf: {  	s18 =	sadd.s32 s16, s15;
	s12 =	sor.u32 $0x80, s25;
	[dreg:$0x6] =	wrdreg s24  }
0x10: {  	s7 =	smax.u32 s7, $0x1;
	s0 =	sadd.s32 s26, s0;
	[dreg:$0x7] =	wrdreg s12  }
0x11: {  	s20 =	sshrl.u32 s18, $0x3;
	s26 =	simm.s32 $0x2240;
	[dreg:$0x13] =	wrdreg s7  }
0x12: {  	s30 =	simm.s32 $0xA;
	s21 =	sadd.s32 s20, s2;
	[dreg:$0xd] =	wrdreg s26  }
0x13: {  	s10 =	sshrl.u32 s14, $0x3;
	s23 =	simm.s32 $0x20C0;
	[dreg:$0x9] =	wrdreg s21  }
0x14: {  	s13 =	sadd.s32 s2, s10;
	s24 =	simm.s32 $0x21C0;
	[dreg:$0xb] =	wrdreg s23  }
0x15: {  	s0 =	sadd.s32 s31, s0;
	s31 =	simm.s32 $0x22C0;
	[dreg:$0xc] =	wrdreg s24  }
0x16: {  	p0 =	sne.s32 s5, $0x0;
	s12 =	sadd.s32 $0x18F000, s13;
	[dreg:$0xe] =	wrdreg s31  }
0x17: {  	s16 =	simm.s32 $0x80;
	s9 =	sadd.s32 $0x18F800, s13;
	[dreg:$0x11] =	wrdreg s12  }
0x18: {  	s1 =	simm.s32 $0x0;
	s0 =	sadd.s32 $0x80, s0;
	[dreg:$0x12] =	wrdreg s9  }
0x19: {  	s18 =	simm.s32 $0x3;
	[dreg:$0x14] =	wrdreg s0;
	s0 =	sshrl.u32 @!p0 s3, $0x3  }
0x1a: {  	s26 =	simm.s32 $0x6340;
	s21 =	simm.s32 $0x4;
	[dreg:$0x15] =	wrdreg s0  }
.LBB2_1:
0x1b: {  	[dreg:$0x16] =	wrdreg s1  }
0x1c: {  	s1 =	rddreg [dreg:$0x1]  }
0x1d: {  	s0 =	simm.s32 @!p0 $0x1C0B;
	s5 =	rddreg [dreg:$0x15]  }
0x1e: {  	[spmem:s5], [sflag:s0] =	dma.local @!p0 [hbm:s1], $0x3E80  }
0x1f: {  	s0 =	simm.s32 @!p0 $0xB  }
0x20: {  	_ =	swait.ge @!p0 [sflag:s0], $0x3E80  }
0x21: {  	[sflag:s0] =	ssyncset.done @!p0 $0x0  }
0x22: {  	[sflag:s0] =	ssyncadd.s32 @!p0 $0xFFFFC180  }
0x23: {  	[bflag:$0x0] =	sbarrier.arrive $0xFFFF  }
0x24: {  	s12 =	simm.s32 $0x1F40;
	s13 =	simm.s32 $0xB;
	s9 =	rddreg [dreg:$0xf]  }
0x25: {  	[tilespmem:s12], [sflag:$0xB] =	stream.linear.gather [hbm4b:s9+s4], $0x200, $0x38;
	[tilespmem:$0x12340] =	vst v63  }
0x26: {  	p1 =	por $0x0, $0x0;
	_ =	swait.ge [sflag:s13], $0x200  }
0x27: {  	p2 =	por p1, p1;
	[sflag:s13] =	ssyncset.done $0x0  }
0x28: {  	s0 =	simm.s32 @p2 $0x1;
	[sflag:s13] =	ssyncadd.s32 $0xFFFFFE00  }
0x29: {  	_ =	swait.ge @p2 [sflag:s0], $0x200  }
0x2a: {  	[sflag:s0] =	ssyncset.done @p2 $0x0  }
0x2b: {  	s1 =	simm.s32 @p2 $0x7;
	[sflag:s0] =	ssyncadd.s32 @p2 $0xFFFFFE00  }
0x2c: {  	_ =	swait.ge @p2 [sflag:s1], $0x4000  }
0x2d: {  	s5 =	simm.s32 @p2 $0x5;
	s6 =	simm.s32 @p2 $0x80;
	[sflag:s1] =	ssyncset.done @p2 $0x0  }
0x2e: {  	s7 =	simm.s32 @p2 $0x1F40;
	s0 =	simm.s32 @p2 $0x2340;
	[sflag:s1] =	ssyncadd.s32 @p2 $0xFFFFC000  }
0x2f: {  	[tilespmem:s0], [sflag:$0x3] =	stream.indirect.gather @p2 [spmem:s3], $0x80, s7, s6, $0xb8;
	[tilespmem:$0x12340] =	vst v63  }
0x30: {  	_ =	swait.ge @p2 [sflag:s5], $0x4000  }
0x31: {  	s1 =	simm.s32 @p2 $0x8;
	s0 =	rddreg [dreg:$0x8]  }
0x32: {  	s7 =	simm.s32 @p2 $0xA340;
	[sflag:s5] =	ssyncset.done @p2 $0x0;
	s8 =	sadd.s32 @p2 $0x0, s0  }
0x33: {  	[sflag:s5] =	ssyncadd.s32 @p2 $0xFFFFC000;
	s5 =	simm.s32 @p2 $0x0;
	s0 =	sadd.s32 @p2 $0xFFFFF000, s8  }
0x34: {  	[hbm4b:s0+s5] =	stream.linear.scatter @p2 [tilespmem:s7], [sflag:$0x9], $0x4000, $0x38;
	[tilespmem:$0x12340] =	vst v63  }
0x35: {  	_ =	swait.ge @p2 [sflag:s1], $0x4000  }
0x36: {  	s0 =	simm.s32 @p2 $0x1FC0;
	[sflag:s1] =	ssyncset.done @p2 $0x0  }
0x37: {  	s7 =	simm.s32 @p2 $0x6340;
	[sflag:s1] =	ssyncadd.s32 @p2 $0xFFFFC000;
	s1 =	simm.s32 @p2 $0x6  }
0x38: {  	[tilespmem:s7], [sflag:$0x4] =	stream.indirect.gather @p2 [spmem:s3], $0x80, s0, s6, $0xb8;
	[tilespmem:$0x12340] =	vst v63  }
0x39: {  	_ =	swait.ge @p2 [sflag:s1], $0x4000  }
0x3a: {  	s0 =	simm.s32 $0x1;
	[sflag:s1] =	ssyncset.done @p2 $0x0  }
0x3b: {  	s6 =	sadd.s32 @p2 $0xFFFFF800, s8;
	s7 =	simm.s32 @p2 $0xE340;
	[sflag:s1] =	ssyncadd.s32 @p2 $0xFFFFC000  }
0x3c: {  	[hbm4b:s6+s5] =	stream.linear.scatter @p2 [tilespmem:s7], [sflag:$0xA], $0x4000, $0x38;
	[tilespmem:$0x12340] =	vst v63  }
0x3d: {  	s1 =	simm.s32 @!p2 $0x80;
	s5 =	simm.s32 @!p2 $0x1F40;
	s6 =	simm.s32 @!p2 $0x2340  }
0x3e: {  	[tilespmem:s6], [sflag:$0x3] =	stream.indirect.gather @!p2 [spmem:s3], $0x80, s5, s1, $0xb8;
	[tilespmem:$0x12340] =	vst v63  }
0x3f: {  	s0 =	simm.s32 @!p1 $0x1;
	s7 =	simm.s32 @!p2 $0x6340;
	s6 =	simm.s32 @!p2 $0x1FC0  }
0x40: {  	[tilespmem:s7], [sflag:$0x4] =	stream.indirect.gather @!p2 [spmem:s3], $0x80, s6, s1, $0xb8;
	[tilespmem:$0x12340] =	vst v63  }
0x41: {  	s15 =	sshll.u32 s0, $0x6;
	p2 =	por $0x1, $0x1  }
0x42: {  	s19 =	simm.s32 $0x2140;
	s17 =	sadd.s32 s15, s9;
	s1 =	simm.s32 @!p2 $0x9  }
0x43: {  	[tilespmem:s19], [sflag:$0x2] =	stream.linear.gather [hbm4b:s17+s4], $0x200, $0x38;
	[tilespmem:$0x12340] =	vst v63  }
0x44: {  	_ =	swait.ge @!p2 [sflag:s1], $0x4000  }
0x45: {  	[sflag:s1] =	ssyncset.done @!p2 $0x0  }
0x46: {  	s9 =	simm.s32 $0xA340;
	s20 =	rddreg [dreg:$0xa];
	[sflag:s1] =	ssyncadd.s32 @!p2 $0xFFFFC000  }
0x47: {  	[tilespmem:s9], [sflag:$0x5] =	stream.indirect.gather [spmem:s3], $0x80, s20, s16, $0xb8;
	[tilespmem:$0x12340] =	vst v63  }
0x48: {  	_ =	swait.ge [sflag:s18], $0x4000  }
0x49: {  	s10 =	simm.s32 $0x2340;
	s22 =	rddreg [dreg:$0x9];
	[sflag:s18] =	ssyncset.done $0x0  }
0x4a: {  	s5 =	simm.s32 @!p2 $0xA;
	[sflag:s18] =	ssyncadd.s32 $0xFFFFC000;
	s1 =	sadd.s32 $0x0, s22  }
0x4b: {  	[hbm4b:s1+s4] =	stream.linear.scatter [tilespmem:s10], [sflag:$0x7], $0x4000, $0x38;
	[tilespmem:$0x12340] =	vst v63  }
0x4c: {  	_ =	swait.ge @!p2 [sflag:s5], $0x4000  }
0x4d: {  	s11 =	simm.s32 $0xE340;
	s6 =	simm.s32 $0x80;
	[sflag:s5] =	ssyncset.done @!p2 $0x0  }
0x4e: {  	s6 =	simm.s32 @!p1 $0x80;
	s23 =	rddreg [dreg:$0xb];
	[sflag:s5] =	ssyncadd.s32 @!p2 $0xFFFFC000  }
0x4f: {  	[tilespmem:s11], [sflag:$0x6] =	stream.indirect.gather [spmem:s3], $0x80, s23, s16, $0xb8;
	[tilespmem:$0x12340] =	vst v63  }
0x50: {  	s24 =	sadd.s32 s25, s6;
	_ =	swait.ge [sflag:s21], $0x4000  }
0x51: {  	s31 =	simm.s32 $0x6340;
	s1 =	sshll.u32 s24, $0x4;
	[sflag:s21] =	ssyncset.done $0x0  }
0x52: {  	s6 =	simm.s32 $0x2;
	s1 =	sadd.s32 s2, s1;
	[sflag:s21] =	ssyncadd.s32 $0xFFFFC000  }
0x53: {  	[hbm4b:s1+s4] =	stream.linear.scatter [tilespmem:s31], [sflag:$0x8], $0x4000, $0x38;
	[tilespmem:$0x12340] =	vst v63  }
0x54: {  	_ =	swait.ge [sflag:s6], $0x200  }
0x55: {  	[sflag:s6] =	ssyncset.done $0x0  }
0x56: {  	s8 =	simm.s32 $0x7;
	[sflag:s6] =	ssyncadd.s32 $0xFFFFFE00  }
0x57: {  	_ =	swait.ge [sflag:s8], $0x4000  }
0x58: {  	[sflag:s8] =	ssyncset.done $0x0  }
0x59: {  	s12 =	simm.s32 $0x5;
	[sflag:s8] =	ssyncadd.s32 $0xFFFFC000  }
0x5a: {  	[tilespmem:s10], [sflag:$0x3] =	stream.indirect.gather [spmem:s3], $0x80, s19, s16, $0xb8;
	[tilespmem:$0x12340] =	vst v63  }
0x5b: {  	_ =	swait.ge [sflag:s12], $0x4000  }
0x5c: {  	s6 =	sshll.u32 s0, $0x9;
	s13 =	rddreg [dreg:$0x5]  }
0x5d: {  	s1 =	sadd.s32 s6, s13  }
0x5e: {  	[sflag:s12] =	ssyncset.done $0x0;
	s1 =	sshll.u32 s1, $0x4  }
0x5f: {  	s15 =	simm.s32 $0x8;
	[sflag:s12] =	ssyncadd.s32 $0xFFFFC000;
	s1 =	sadd.s32 s2, s1  }
0x60: {  	[hbm4b:s1+s4] =	stream.linear.scatter [tilespmem:s9], [sflag:$0x9], $0x4000, $0x38;
	[tilespmem:$0x12340] =	vst v63  }
0x61: {  	_ =	swait.ge [sflag:s15], $0x4000  }
0x62: {  	[sflag:s15] =	ssyncset.done $0x0  }
0x63: {  	s17 =	rddreg [dreg:$0xc];
	[sflag:s15] =	ssyncadd.s32 $0xFFFFC000  }
0x64: {  	[tilespmem:s31], [sflag:$0x4] =	stream.indirect.gather [spmem:s3], $0x80, s17, s16, $0xb8;
	[tilespmem:$0x12340] =	vst v63  }
0x65: {  	_ =	swait.ge [sflag:s28], $0x4000  }
0x66: {  	s19 =	rddreg [dreg:$0x6]  }
0x67: {  	s1 =	sadd.s32 s6, s19  }
0x68: {  	p1 =	por $0x0, $0x0;
	[sflag:s28] =	ssyncset.done $0x0;
	s1 =	sshll.u32 s1, $0x4  }
0x69: {  	s5 =	simm.s32 @!p1 $0x1F40;
	[sflag:s28] =	ssyncadd.s32 $0xFFFFC000;
	s1 =	sadd.s32 s2, s1  }
0x6a: {  	[hbm4b:s1+s4] =	stream.linear.scatter [tilespmem:s11], [sflag:$0xA], $0x4000, $0x38;
	[tilespmem:$0x12340] =	vst v63  }
0x6b: {  	s0 =	sshll.u32 s0, $0x10;
	s8 =	rddreg [dreg:$0x14];
	s1 =	simm.s32 @!p1 $0x0  }
0x6c: {  	[tilespmem:s5], [sflag:$0x1] =	stream.linear.gather @!p1 [hbm4b:s8+s1], $0x200, $0x38;
	[tilespmem:$0x12340] =	vst v63  }
0x6d: {  	s7 =	simm.s32 $0x5;
	s22 =	sadd.s32 s14, s0;
	_ =	swait.ge [sflag:s29], $0x4000  }
0x6e: {  	s0 =	simm.s32 $0x4000;
	s13 =	simm.s32 $0x3;
	[sflag:s29] =	ssyncset.done $0x0  }
0x6f: {  	s12 =	simm.s32 $0x8000;
	s20 =	rddreg [dreg:$0xd];
	[sflag:s29] =	ssyncadd.s32 $0xFFFFC000  }
0x70: {  	[tilespmem:s9], [sflag:$0x5] =	stream.indirect.gather [spmem:s3], $0x80, s20, s16, $0xb8;
	[tilespmem:$0x12340] =	vst v63  }
0x71: {  	s17 =	simm.s32 $0x880;
	s1 =	sshrl.u32 s22, $0x3;
	_ =	swait.ge [sflag:s18], $0x4000  }
0x72: {  	s5 =	simm.s32 $0x480;
	p1 =	por $0x1, $0x1;
	[sflag:s18] =	ssyncset.done $0x0  }
0x73: {  	s8 =	sadd.s32 $0x80, s8;
	s1 =	sadd.s32 s2, s1;
	[sflag:s18] =	ssyncadd.s32 $0xFFFFC000  }
0x74: {  	[hbm4b:s1+s4] =	stream.linear.scatter [tilespmem:s10], [sflag:$0x7], $0x4000, $0x38;
	[tilespmem:$0x12340] =	vst v63  }
0x75: {  	s13 =	simm.s32 @!p1 $0x1;
	s5 =	simm.s32 @!p1 $0x80;
	_ =	swait.ge [sflag:s30], $0x4000  }
0x76: {  	p1 =	por p1, p1;
	s5 =	sadd.s32 s25, s5;
	[sflag:s30] =	ssyncset.done $0x0  }
0x77: {  	s24 =	sshll.u32 s13, $0x10;
	s23 =	rddreg [dreg:$0xe];
	[sflag:s30] =	ssyncadd.s32 $0xFFFFC000  }
0x78: {  	[tilespmem:s11], [sflag:$0x6] =	stream.indirect.gather [spmem:s3], $0x80, s23, s16, $0xb8;
	[tilespmem:$0x12340] =	vst v63  }
0x79: {  	s31 =	sadd.s32 s14, s24;
	s9 =	sshll.u32 s5, $0x4;
	_ =	swait.ge [sflag:s21], $0x4000  }
0x7a: {  	s5 =	simm.s32 @p1 $0x1;
	s10 =	sshll.u32 s13, $0x6;
	[sflag:s21] =	ssyncset.done $0x0  }
0x7b: {  	s1 =	sshrl.u32 s31, $0x3;
	s11 =	rddreg [dreg:$0x7];
	[sflag:s21] =	ssyncadd.s32 $0xFFFFC000  }
.LBB2_2:
0x7c: {  	s6 =	sadd.s32 s6, s11  }
0x7d: {  	s6 =	sshll.u32 s6, $0x4  }
0x7e: {  	p3 =	sne.s32 s12, $0x0;
	s14 =	smov.u32 s17;
	s6 =	sadd.s32 s2, s6  }
0x7f: {  	[hbm4b:s6+s4] =	stream.linear.scatter [tilespmem:s26], [sflag:$0x8], $0x4000, $0x38;
	[tilespmem:$0x12340] =	vst v63  }
0x80: {  	s14 =	simm.s32 @!p3 $0x80;
	_ =	swait.ge @p1 [sflag:s5], $0x200  }
0x81: {  	s14 =	sadd.s32 s25, s14;
	[sflag:s5] =	ssyncset.done @p1 $0x0  }
0x82: {  	s6 =	sshll.u32 s14, $0x4;
	s14 =	simm.s32 @p1 $0x7;
	[sflag:s5] =	ssyncadd.s32 @p1 $0xFFFFFE00  }
0x83: {  	s11 =	smov.u32 s7;
	s20 =	simm.s32 @p1 $0x2340;
	_ =	swait.ge @p1 [sflag:s14], $0x4000  }
0x84: {  	s22 =	simm.s32 @p1 $0x5;
	s23 =	simm.s32 @p1 $0x80;
	[sflag:s14] =	ssyncset.done @p1 $0x0  }
0x85: {  	s24 =	simm.s32 @p1 $0x1F40;
	s11 =	simm.s32 @!p3 $0x1;
	[sflag:s14] =	ssyncadd.s32 @p1 $0xFFFFC000  }
0x86: {  	[tilespmem:s20], [sflag:$0x3] =	stream.indirect.gather @p1 [spmem:s3], $0x80, s24, s23, $0xb8;
	[tilespmem:$0x12340] =	vst v63  }
0x87: {  	s19 =	sshll.u32 s11, $0x10;
	s5 =	rddreg [dreg:$0x10];
	_ =	swait.ge @p1 [sflag:s22], $0x4000  }
0x88: {  	s5 =	sadd.s32 s5, s19;
	s19 =	simm.s32 @p1 $0x8;
	s14 =	rddreg [dreg:$0x8]  }
0x89: {  	s20 =	simm.s32 @p1 $0xA340;
	[sflag:s22] =	ssyncset.done @p1 $0x0;
	s14 =	sadd.s32 @p1 s0, s14  }
0x8a: {  	[sflag:s22] =	ssyncadd.s32 @p1 $0xFFFFC000;
	s22 =	simm.s32 @p1 $0x0;
	s24 =	sadd.s32 @p1 $0xFFFFF000, s14  }
0x8b: {  	[hbm4b:s24+s22] =	stream.linear.scatter @p1 [tilespmem:s20], [sflag:$0x9], $0x4000, $0x38;
	[tilespmem:$0x12340] =	vst v63  }
0x8c: {  	_ =	swait.ge @p1 [sflag:s19], $0x4000  }
0x8d: {  	s20 =	simm.s32 @p1 $0x1FC0;
	[sflag:s19] =	ssyncset.done @p1 $0x0  }
0x8e: {  	s24 =	simm.s32 @p1 $0x6340;
	[sflag:s19] =	ssyncadd.s32 @p1 $0xFFFFC000;
	s19 =	simm.s32 @p1 $0x6  }
0x8f: {  	[tilespmem:s24], [sflag:$0x4] =	stream.indirect.gather @p1 [spmem:s3], $0x80, s20, s23, $0xb8;
	[tilespmem:$0x12340] =	vst v63  }
0x90: {  	_ =	swait.ge @p1 [sflag:s19], $0x4000  }
0x91: {  	[sflag:s19] =	ssyncset.done @p1 $0x0  }
0x92: {  	s14 =	sadd.s32 @p1 $0xFFFFF800, s14;
	s20 =	simm.s32 @p1 $0xE340;
	[sflag:s19] =	ssyncadd.s32 @p1 $0xFFFFC000  }
0x93: {  	[hbm4b:s14+s22] =	stream.linear.scatter @p1 [tilespmem:s20], [sflag:$0xA], $0x4000, $0x38;
	[tilespmem:$0x12340] =	vst v63  }
0x94: {  	s19 =	simm.s32 @!p1 $0x1F40;
	s14 =	simm.s32 @!p1 $0x80;
	s20 =	simm.s32 @!p1 $0x2340  }
0x95: {  	[tilespmem:s20], [sflag:$0x3] =	stream.indirect.gather @!p1 [spmem:s3], $0x80, s19, s14, $0xb8;
	[tilespmem:$0x12340] =	vst v63  }
0x96: {  	s22 =	rddreg [dreg:$0xf];
	s19 =	simm.s32 @!p1 $0x1FC0;
	s20 =	simm.s32 @!p1 $0x6340  }
0x97: {  	[tilespmem:s20], [sflag:$0x4] =	stream.indirect.gather @!p1 [spmem:s3], $0x80, s19, s14, $0xb8;
	[tilespmem:$0x12340] =	vst v63  }
0x98: {  	p4 =	seq.s32 s0, $0x0;
	s14 =	sadd.s32 s10, s22;
	s20 =	simm.s32 $0x2140  }
0x99: {  	[tilespmem:s20], [sflag:$0x2] =	stream.linear.gather [hbm4b:s14+s4], $0x200, $0x38;
	[tilespmem:$0x12340] =	vst v63  }
0x9a: {  	s14 =	simm.s32 @!p4 $0x9  }
0x9b: {  	_ =	swait.ge @!p4 [sflag:s14], $0x4000  }
0x9c: {  	s15 =	sshll.u32 s11, $0x6;
	[sflag:s14] =	ssyncset.done @!p4 $0x0  }
0x9d: {  	s22 =	simm.s32 $0xA340;
	s23 =	rddreg [dreg:$0xa];
	[sflag:s14] =	ssyncadd.s32 @!p4 $0xFFFFC000  }
0x9e: {  	[tilespmem:s22], [sflag:$0x5] =	stream.indirect.gather [spmem:s3], $0x80, s23, s16, $0xb8;
	[tilespmem:$0x12340] =	vst v63  }
0x9f: {  	s10 =	smov.u32 s15;
	_ =	swait.ge [sflag:s18], $0x4000  }
0xa0: {  	s15 =	simm.s32 @!p4 $0xA;
	s24 =	rddreg [dreg:$0x9];
	[sflag:s18] =	ssyncset.done $0x0  }
0xa1: {  	s23 =	simm.s32 $0x2340;
	[sflag:s18] =	ssyncadd.s32 $0xFFFFC000;
	s14 =	sadd.s32 s0, s24  }
0xa2: {  	[hbm4b:s14+s4] =	stream.linear.scatter [tilespmem:s23], [sflag:$0x7], $0x4000, $0x38;
	[tilespmem:$0x12340] =	vst v63  }
0xa3: {  	_ =	swait.ge @!p4 [sflag:s15], $0x4000  }
0xa4: {  	[sflag:s15] =	ssyncset.done @!p4 $0x0  }
0xa5: {  	s24 =	simm.s32 $0xE340;
	s19 =	rddreg [dreg:$0xb];
	[sflag:s15] =	ssyncadd.s32 @!p4 $0xFFFFC000  }
0xa6: {  	[tilespmem:s24], [sflag:$0x6] =	stream.indirect.gather [spmem:s3], $0x80, s19, s16, $0xb8;
	[tilespmem:$0x12340] =	vst v63  }
0xa7: {  	_ =	swait.ge [sflag:s21], $0x4000  }
0xa8: {  	[sflag:s21] =	ssyncset.done $0x0  }
0xa9: {  	s15 =	simm.s32 $0x2;
	s19 =	sadd.s32 s2, s9;
	[sflag:s21] =	ssyncadd.s32 $0xFFFFC000  }
0xaa: {  	[hbm4b:s19+s4] =	stream.linear.scatter [tilespmem:s26], [sflag:$0x8], $0x4000, $0x38;
	[tilespmem:$0x12340] =	vst v63  }
0xab: {  	_ =	swait.ge [sflag:s15], $0x200  }
0xac: {  	[sflag:s15] =	ssyncset.done $0x0  }
0xad: {  	s19 =	simm.s32 $0x7;
	[sflag:s15] =	ssyncadd.s32 $0xFFFFFE00  }
0xae: {  	_ =	swait.ge [sflag:s19], $0x4000  }
0xaf: {  	[sflag:s19] =	ssyncset.done $0x0  }
0xb0: {  	[sflag:s19] =	ssyncadd.s32 $0xFFFFC000  }
0xb1: {  	[tilespmem:s23], [sflag:$0x3] =	stream.indirect.gather [spmem:s3], $0x80, s20, s16, $0xb8;
	[tilespmem:$0x12340] =	vst v63  }
0xb2: {  	s20 =	simm.s32 $0x5  }
0xb3: {  	_ =	swait.ge [sflag:s20], $0x4000  }
0xb4: {  	s9 =	smov.u32 s6;
	s6 =	sshll.u32 s13, $0x9;
	s15 =	rddreg [dreg:$0x5]  }
0xb5: {  	s13 =	smov.u32 s11;
	s11 =	sadd.s32 s6, s15  }
0xb6: {  	[sflag:s20] =	ssyncset.done $0x0;
	s11 =	sshll.u32 s11, $0x4  }
0xb7: {  	s19 =	simm.s32 $0x8;
	[sflag:s20] =	ssyncadd.s32 $0xFFFFC000;
	s11 =	sadd.s32 s2, s11  }
0xb8: {  	[hbm4b:s11+s4] =	stream.linear.scatter [tilespmem:s22], [sflag:$0x9], $0x4000, $0x38;
	[tilespmem:$0x12340] =	vst v63  }
0xb9: {  	_ =	swait.ge [sflag:s19], $0x4000  }
0xba: {  	[sflag:s19] =	ssyncset.done $0x0  }
0xbb: {  	s20 =	rddreg [dreg:$0xc];
	[sflag:s19] =	ssyncadd.s32 $0xFFFFC000  }
0xbc: {  	[tilespmem:s26], [sflag:$0x4] =	stream.indirect.gather [spmem:s3], $0x80, s20, s16, $0xb8;
	[tilespmem:$0x12340] =	vst v63  }
0xbd: {  	_ =	swait.ge [sflag:s28], $0x4000  }
0xbe: {  	s14 =	rddreg [dreg:$0x6]  }
0xbf: {  	s11 =	sadd.s32 s6, s14  }
0xc0: {  	p1 =	por p3, p3;
	[sflag:s28] =	ssyncset.done $0x0;
	s15 =	sshll.u32 s11, $0x4  }
0xc1: {  	p3 =	seq.s32 s0, $0x18C000;
	[sflag:s28] =	ssyncadd.s32 $0xFFFFC000;
	s19 =	sadd.s32 s2, s15  }
0xc2: {  	[hbm4b:s19+s4] =	stream.linear.scatter [tilespmem:s24], [sflag:$0xA], $0x4000, $0x38;
	[tilespmem:$0x12340] =	vst v63  }
0xc3: {  	s14 =	simm.s32 @!p3 $0x1F40;
	s11 =	simm.s32 @!p3 $0x0  }
0xc4: {  	[tilespmem:s14], [sflag:$0x1] =	stream.linear.gather @!p3 [hbm4b:s8+s11], $0x200, $0x38;
	[tilespmem:$0x12340] =	vst v63  }
0xc5: {  	_ =	swait.ge [sflag:s29], $0x4000  }
0xc6: {  	[sflag:s29] =	ssyncset.done $0x0  }
0xc7: {  	s20 =	rddreg [dreg:$0xd];
	[sflag:s29] =	ssyncadd.s32 $0xFFFFC000  }
0xc8: {  	[tilespmem:s22], [sflag:$0x5] =	stream.indirect.gather [spmem:s3], $0x80, s20, s16, $0xb8;
	[tilespmem:$0x12340] =	vst v63  }
0xc9: {  	_ =	swait.ge [sflag:s18], $0x4000  }
0xca: {  	[sflag:s18] =	ssyncset.done $0x0  }
0xcb: {  	s31 =	smov.u32 s12;
	s22 =	sadd.s32 s2, s1;
	[sflag:s18] =	ssyncadd.s32 $0xFFFFC000  }
0xcc: {  	[hbm4b:s22+s4] =	stream.linear.scatter [tilespmem:s23], [sflag:$0x7], $0x4000, $0x38;
	[tilespmem:$0x12340] =	vst v63  }
0xcd: {  	s12 =	sadd.s32 $0x4000, s12;
	s17 =	sadd.s32 $0x400, s17;
	_ =	swait.ge [sflag:s30], $0x4000  }
0xce: {  	p2 =	sne.s32 s12, $0x190000;
	s0 =	smov.u32 s31;
	[sflag:s30] =	ssyncset.done $0x0  }
.Ltmp0:
0xcf: {  	s31 =	rddreg [dreg:$0xe];
	[sflag:s30] =	ssyncadd.s32 $0xFFFFC000;
	(pc) =	sbr.rel @p2 .LBB2_2-.Ltmp0, $4  }
0xd0: {  	[tilespmem:s24], [sflag:$0x6] =	stream.indirect.gather [spmem:s3], $0x80, s31, s16, $0xb8;
	[tilespmem:$0x12340] =	vst v63  }
0xd1: {  	s7 =	sadd.s32 $0x2, s7;
	s5 =	sshrl.u32 s5, $0x3;
	_ =	swait.ge [sflag:s21], $0x4000  }
0xd2: {  	s8 =	sadd.s32 $0x80, s8;
	s1 =	smov.u32 s5;
	[sflag:s21] =	ssyncset.done $0x0  }
0xd3: {  	s5 =	simm.s32 @p1 $0x1;
	s11 =	rddreg [dreg:$0x7];
	[sflag:s21] =	ssyncadd.s32 $0xFFFFC000  }
0xd4: {  	s6 =	sadd.s32 s6, s11  }
0xd5: {  	s6 =	sshll.u32 s6, $0x4  }
0xd6: {  	s14 =	simm.s32 $0x6340;
	s6 =	sadd.s32 s2, s6  }
0xd7: {  	[hbm4b:s6+s4] =	stream.linear.scatter [tilespmem:s14], [sflag:$0x8], $0x4000, $0x38;
	[tilespmem:$0x12340] =	vst v63  }
0xd8: {  	_ =	swait.ge @p1 [sflag:s5], $0x200  }
0xd9: {  	[sflag:s5] =	ssyncset.done @p1 $0x0  }
0xda: {  	s6 =	simm.s32 @p1 $0x7;
	[sflag:s5] =	ssyncadd.s32 @p1 $0xFFFFFE00  }
0xdb: {  	_ =	swait.ge @p1 [sflag:s6], $0x4000  }
0xdc: {  	s7 =	simm.s32 @p1 $0x5;
	s11 =	simm.s32 @p1 $0x80;
	[sflag:s6] =	ssyncset.done @p1 $0x0  }
0xdd: {  	s12 =	simm.s32 @p1 $0x1F40;
	s5 =	simm.s32 @p1 $0x2340;
	[sflag:s6] =	ssyncadd.s32 @p1 $0xFFFFC000  }
0xde: {  	[tilespmem:s5], [sflag:$0x3] =	stream.indirect.gather @p1 [spmem:s3], $0x80, s12, s11, $0xb8;
	[tilespmem:$0x12340] =	vst v63  }
0xdf: {  	_ =	swait.ge @p1 [sflag:s7], $0x4000  }
0xe0: {  	s5 =	rddreg [dreg:$0x8]  }
0xe1: {  	s6 =	simm.s32 @p1 $0xA340;
	[sflag:s7] =	ssyncset.done @p1 $0x0;
	s5 =	sadd.s32 @p1 s0, s5  }
0xe2: {  	[sflag:s7] =	ssyncadd.s32 @p1 $0xFFFFC000;
	s7 =	simm.s32 @p1 $0x0;
	s12 =	sadd.s32 @p1 $0xFFFFF000, s5  }
0xe3: {  	[hbm4b:s12+s7] =	stream.linear.scatter @p1 [tilespmem:s6], [sflag:$0x9], $0x4000, $0x38;
	[tilespmem:$0x12340] =	vst v63  }
0xe4: {  	s6 =	simm.s32 @p1 $0x8  }
0xe5: {  	_ =	swait.ge @p1 [sflag:s6], $0x4000  }
0xe6: {  	[sflag:s6] =	ssyncset.done @p1 $0x0  }
0xe7: {  	s12 =	simm.s32 @p1 $0x1FC0;
	[sflag:s6] =	ssyncadd.s32 @p1 $0xFFFFC000;
	s6 =	simm.s32 @p1 $0x6340  }
0xe8: {  	[tilespmem:s6], [sflag:$0x4] =	stream.indirect.gather @p1 [spmem:s3], $0x80, s12, s11, $0xb8;
	[tilespmem:$0x12340] =	vst v63  }
0xe9: {  	s6 =	simm.s32 @p1 $0x6  }
0xea: {  	_ =	swait.ge @p1 [sflag:s6], $0x4000  }
0xeb: {  	[sflag:s6] =	ssyncset.done @p1 $0x0  }
0xec: {  	s5 =	sadd.s32 @p1 $0xFFFFF800, s5;
	[sflag:s6] =	ssyncadd.s32 @p1 $0xFFFFC000;
	s6 =	simm.s32 @p1 $0xE340  }
0xed: {  	[hbm4b:s5+s7] =	stream.linear.scatter @p1 [tilespmem:s6], [sflag:$0xA], $0x4000, $0x38;
	[tilespmem:$0x12340] =	vst v63  }
0xee: {  	s5 =	simm.s32 @!p1 $0x80;
	s6 =	simm.s32 @!p1 $0x1F40;
	s7 =	simm.s32 @!p1 $0x2340  }
0xef: {  	[tilespmem:s7], [sflag:$0x3] =	stream.indirect.gather @!p1 [spmem:s3], $0x80, s6, s5, $0xb8;
	[tilespmem:$0x12340] =	vst v63  }
0xf0: {  	s24 =	rddreg [dreg:$0xf];
	s6 =	simm.s32 @!p1 $0x1FC0;
	s7 =	simm.s32 @!p1 $0x6340  }
0xf1: {  	[tilespmem:s7], [sflag:$0x4] =	stream.indirect.gather @!p1 [spmem:s3], $0x80, s6, s5, $0xb8;
	[tilespmem:$0x12340] =	vst v63  }
0xf2: {  	s31 =	simm.s32 $0x2140;
	p1 =	seq.s32 s0, $0x0;
	s5 =	sadd.s32 s10, s24  }
0xf3: {  	[tilespmem:s31], [sflag:$0x2] =	stream.linear.gather [hbm4b:s5+s4], $0x200, $0x38;
	[tilespmem:$0x12340] =	vst v63  }
0xf4: {  	s5 =	simm.s32 @!p1 $0x9  }
0xf5: {  	_ =	swait.ge @!p1 [sflag:s5], $0x4000  }
0xf6: {  	[sflag:s5] =	ssyncset.done @!p1 $0x0  }
0xf7: {  	s10 =	simm.s32 $0xA340;
	s12 =	rddreg [dreg:$0xa];
	[sflag:s5] =	ssyncadd.s32 @!p1 $0xFFFFC000  }
0xf8: {  	[tilespmem:s10], [sflag:$0x5] =	stream.indirect.gather [spmem:s3], $0x80, s12, s16, $0xb8;
	[tilespmem:$0x12340] =	vst v63  }
0xf9: {  	_ =	swait.ge [sflag:s18], $0x4000  }
0xfa: {  	s11 =	simm.s32 $0x2340;
	s15 =	rddreg [dreg:$0x9];
	[sflag:s18] =	ssyncset.done $0x0  }
0xfb: {  	s6 =	simm.s32 @!p1 $0xA;
	[sflag:s18] =	ssyncadd.s32 $0xFFFFC000;
	s5 =	sadd.s32 s0, s15  }
0xfc: {  	[hbm4b:s5+s4] =	stream.linear.scatter [tilespmem:s11], [sflag:$0x7], $0x4000, $0x38;
	[tilespmem:$0x12340] =	vst v63  }
0xfd: {  	_ =	swait.ge @!p1 [sflag:s6], $0x4000  }
0xfe: {  	[sflag:s6] =	ssyncset.done @!p1 $0x0  }
0xff: {  	s12 =	simm.s32 $0xE340;
	s17 =	rddreg [dreg:$0xb];
	[sflag:s6] =	ssyncadd.s32 @!p1 $0xFFFFC000  }
0x100: {  	[tilespmem:s12], [sflag:$0x6] =	stream.indirect.gather [spmem:s3], $0x80, s17, s16, $0xb8;
	[tilespmem:$0x12340] =	vst v63  }
0x101: {  	_ =	swait.ge [sflag:s21], $0x4000  }
0x102: {  	[sflag:s21] =	ssyncset.done $0x0  }
0x103: {  	s19 =	sadd.s32 s2, s9;
	s20 =	simm.s32 $0x2;
	[sflag:s21] =	ssyncadd.s32 $0xFFFFC000  }
0x104: {  	[hbm4b:s19+s4] =	stream.linear.scatter [tilespmem:s14], [sflag:$0x8], $0x4000, $0x38;
	[tilespmem:$0x12340] =	vst v63  }
0x105: {  	_ =	swait.ge [sflag:s20], $0x200  }
0x106: {  	[sflag:s20] =	ssyncset.done $0x0  }
0x107: {  	s9 =	simm.s32 $0x7;
	[sflag:s20] =	ssyncadd.s32 $0xFFFFFE00  }
0x108: {  	_ =	swait.ge [sflag:s9], $0x4000  }
0x109: {  	[sflag:s9] =	ssyncset.done $0x0  }
0x10a: {  	s7 =	simm.s32 $0x5;
	[sflag:s9] =	ssyncadd.s32 $0xFFFFC000  }
0x10b: {  	[tilespmem:s11], [sflag:$0x3] =	stream.indirect.gather [spmem:s3], $0x80, s31, s16, $0xb8;
	[tilespmem:$0x12340] =	vst v63  }
0x10c: {  	_ =	swait.ge [sflag:s7], $0x4000  }
0x10d: {  	s23 =	sshll.u32 s13, $0x9;
	s22 =	rddreg [dreg:$0x5]  }
0x10e: {  	s5 =	sadd.s32 s23, s22  }
0x10f: {  	[sflag:s7] =	ssyncset.done $0x0;
	s5 =	sshll.u32 s5, $0x4  }
0x110: {  	s13 =	simm.s32 $0x8;
	[sflag:s7] =	ssyncadd.s32 $0xFFFFC000;
	s5 =	sadd.s32 s2, s5  }
0x111: {  	[hbm4b:s5+s4] =	stream.linear.scatter [tilespmem:s10], [sflag:$0x9], $0x4000, $0x38;
	[tilespmem:$0x12340] =	vst v63  }
0x112: {  	_ =	swait.ge [sflag:s13], $0x4000  }
0x113: {  	[sflag:s13] =	ssyncset.done $0x0  }
0x114: {  	s24 =	rddreg [dreg:$0xc];
	[sflag:s13] =	ssyncadd.s32 $0xFFFFC000  }
0x115: {  	[tilespmem:s14], [sflag:$0x4] =	stream.indirect.gather [spmem:s3], $0x80, s24, s16, $0xb8;
	[tilespmem:$0x12340] =	vst v63  }
0x116: {  	_ =	swait.ge [sflag:s28], $0x4000  }
0x117: {  	s31 =	rddreg [dreg:$0x6]  }
0x118: {  	s5 =	sadd.s32 s23, s31  }
0x119: {  	[sflag:s28] =	ssyncset.done $0x0;
	s5 =	sshll.u32 s5, $0x4  }
0x11a: {  	p1 =	seq.s32 s0, $0x18C000;
	[sflag:s28] =	ssyncadd.s32 $0xFFFFC000;
	s5 =	sadd.s32 s2, s5  }
0x11b: {  	[hbm4b:s5+s4] =	stream.linear.scatter [tilespmem:s12], [sflag:$0xA], $0x4000, $0x38;
	[tilespmem:$0x12340] =	vst v63  }
0x11c: {  	s0 =	simm.s32 @!p1 $0x0;
	s5 =	simm.s32 @!p1 $0x1F40  }
0x11d: {  	[tilespmem:s5], [sflag:$0x1] =	stream.linear.gather @!p1 [hbm4b:s8+s0], $0x200, $0x38;
	[tilespmem:$0x12340] =	vst v63  }
0x11e: {  	_ =	swait.ge [sflag:s29], $0x4000  }
0x11f: {  	[sflag:s29] =	ssyncset.done $0x0  }
0x120: {  	s15 =	rddreg [dreg:$0xd];
	[sflag:s29] =	ssyncadd.s32 $0xFFFFC000  }
0x121: {  	[tilespmem:s10], [sflag:$0x5] =	stream.indirect.gather [spmem:s3], $0x80, s15, s16, $0xb8;
	[tilespmem:$0x12340] =	vst v63  }
0x122: {  	_ =	swait.ge [sflag:s18], $0x4000  }
0x123: {  	[sflag:s18] =	ssyncset.done $0x0  }
0x124: {  	s17 =	sadd.s32 s2, s1;
	[sflag:s18] =	ssyncadd.s32 $0xFFFFC000  }
0x125: {  	[hbm4b:s17+s4] =	stream.linear.scatter [tilespmem:s11], [sflag:$0x7], $0x4000, $0x38;
	[tilespmem:$0x12340] =	vst v63  }
0x126: {  	_ =	swait.ge [sflag:s30], $0x4000  }
0x127: {  	[sflag:s30] =	ssyncset.done $0x0  }
0x128: {  	s19 =	rddreg [dreg:$0xe];
	[sflag:s30] =	ssyncadd.s32 $0xFFFFC000  }
0x129: {  	[tilespmem:s12], [sflag:$0x6] =	stream.indirect.gather [spmem:s3], $0x80, s19, s16, $0xb8;
	[tilespmem:$0x12340] =	vst v63  }
0x12a: {  	_ =	swait.ge [sflag:s21], $0x4000  }
0x12b: {  	s20 =	rddreg [dreg:$0x7]  }
0x12c: {  	s0 =	sadd.s32 s23, s20  }
0x12d: {  	[sflag:s21] =	ssyncset.done $0x0;
	s0 =	sshll.u32 s0, $0x4  }
0x12e: {  	[sflag:s21] =	ssyncadd.s32 $0xFFFFC000;
	s0 =	sadd.s32 s2, s0  }
0x12f: {  	[hbm4b:s0+s4] =	stream.linear.scatter [tilespmem:s14], [sflag:$0x8], $0x4000, $0x38;
	[tilespmem:$0x12340] =	vst v63  }
0x130: {  	_ =	swait.ge [sflag:s7], $0x4000  }
0x131: {  	[sflag:s7] =	ssyncset.done $0x0  }
0x132: {  	s22 =	rddreg [dreg:$0x11];
	[sflag:s7] =	ssyncadd.s32 $0xFFFFC000  }
0x133: {  	[hbm4b:s22+s4] =	stream.linear.scatter [tilespmem:s10], [sflag:$0x9], $0x4000, $0x38;
	[tilespmem:$0x12340] =	vst v63  }
0x134: {  	_ =	swait.ge [sflag:s28], $0x4000  }
0x135: {  	[sflag:s28] =	ssyncset.done $0x0  }
0x136: {  	s23 =	rddreg [dreg:$0x12];
	[sflag:s28] =	ssyncadd.s32 $0xFFFFC000  }
0x137: {  	[hbm4b:s23+s4] =	stream.linear.scatter [tilespmem:s12], [sflag:$0xA], $0x4000, $0x38;
	[tilespmem:$0x12340] =	vst v63  }
0x138: {  	_ =	swait.ge [sflag:s9], $0x4000  }
0x139: {  	[sflag:s9] =	ssyncset.done $0x0  }
0x13a: {  	[sflag:s9] =	ssyncadd.s32 $0xFFFFC000  }
0x13b: {  	_ =	swait.ge [sflag:s13], $0x4000  }
0x13c: {  	[sflag:s13] =	ssyncset.done $0x0  }
0x13d: {  	[sflag:s13] =	ssyncadd.s32 $0xFFFFC000  }
0x13e: {  	_ =	swait.ge [sflag:s29], $0x4000  }
0x13f: {  	[sflag:s29] =	ssyncset.done $0x0  }
0x140: {  	[sflag:s29] =	ssyncadd.s32 $0xFFFFC000  }
0x141: {  	_ =	swait.ge [sflag:s30], $0x4000  }
0x142: {  	s24 =	rddreg [dreg:$0x16]  }
0x143: {  	s31 =	rddreg [dreg:$0x13];
	s1 =	sadd.s32 $0x1, s24  }
0x144: {  	p1 =	sne.s32 s1, s31  }
.Ltmp1:
0x145: {  	_ = 	snop;
	(pc) =	sbr.rel @p1 .LBB2_1-.Ltmp1, $3  }
0x146: {  	_ =	sdelay $0x1  }
0x147: {  	[sflag:s30] =	ssyncset.done $0x0  }
0x148: {  	s14 =	rddreg [dreg:$0x10];
	[sflag:s30] =	ssyncadd.s32 $0xFFFFC000  }
0x149: {  	_ =	sfence.sel $0x180000  }
0x14a: {  	[bflag:$0x0] =	sbarrier.arrive $0xFFFF  }
0x14b: {  	_ =	strace $0x90000047  }
0x14c: {  	[bflag:$0x2] =	sbarrier.arrive $0xFFFF  }
0x14d: {  	s0 =	rddreg [dreg:$0x4]  }
0x14e: {  	s0 =	sadd.s32 @!p0 $0x100000, s0  }
0x14f: {  	[sflag:s0] =	ssyncadd.tile.s32 @!p0 $0x1;
	_ =	shalt  }
.Lfunc_end2:
_tile_overlayer_lowered:
.L_overlay_start_2:
0x150: {  	(tag) =	ssettag $0x2  }
0x151: {  	s0 =	rddreg [dreg:$0x0];
	s2 =	stileid.u32  }
0x152: {  	s1 =	rddreg [dreg:$0x1];
	p0 =	sne.s32 s2, $0x0  }
0x153: {  	s3 =	rddreg [dreg:$0x2];
	[bflag:$0x3] =	sbarrier.arrive $0xFFFF;
	s2 =	simm.s32 @!p0 $0x1C0B  }
0x154: {  	[timem:s3], [sflag:s2] =	dma.local @!p0 [hbm:s0], s1  }
0x155: {  	s0 =	simm.s32 @!p0 $0xB  }
0x156: {  	_ =	swait.ge @!p0 [sflag:s0], s1  }
0x157: {  	s1 =	ssub.s32 @!p0 $0x0, s1;
	[sflag:s0] =	ssyncset.done @!p0 $0x0  }
0x158: {  	[sflag:s0] =	ssyncadd.s32 @!p0 s1  }
0x159: {  	[bflag:$0x3] =	sbarrier.arrive $0xFFFF  }
0x15a: {  	_ =	shalt  }

</sc_bundles>
